<compile_context>
chip_gen: v7x
topology: tpu7x:2x2x1
jax: 0.10.2.dev20260603
libtpu: 0.0.44.dev20260713+nightly
codegen_flags: <defaults>
</compile_context>

<pallas_src>
import functools

import jax
import jax.numpy as jnp
import numpy as np
from jax import lax
from jax.experimental import pallas as pl
from jax.experimental.pallas import tpu as pltpu
from jax.experimental.pallas import tpu_sc as plsc

D_MODEL = 1024
BATCH = 4
SEQ = 4096
NUM_CORES = 2
NUM_SUBCORES = 16
NW = NUM_CORES * NUM_SUBCORES
ROWS = BATCH * SEQ
ROWS_PER_W = ROWS // NW
CHUNK = 16
NUM_CHUNKS = ROWS_PER_W // CHUNK
LANES = 16
SLICES = D_MODEL // LANES
SCALE = 32.0


def _position_encoding(seq_len: int, d_model: int) -> np.ndarray:
    pos = np.arange(seq_len, dtype=np.float64)[:, None]
    two_i = np.arange(0, d_model, 2, dtype=np.float64)
    div = np.power(10000.0, two_i / d_model)
    enc = np.zeros((seq_len, d_model), dtype=np.float64)
    enc[:, 0::2] = np.sin(pos / div)
    enc[:, 1::2] = np.cos(pos / div)
    return enc.astype(np.float32)


_PE = _position_encoding(SEQ, D_MODEL)

_MESH = plsc.VectorSubcoreMesh(
    core_axis_name="c", subcore_axis_name="s",
    num_cores=NUM_CORES, num_subcores=NUM_SUBCORES,
)


@functools.partial(
    pl.kernel,
    out_type=jax.ShapeDtypeStruct((ROWS, D_MODEL), jnp.float32),
    mesh=_MESH,
    scratch_types=[
        pltpu.VMEM((CHUNK,), jnp.int32),
        pltpu.VMEM((CHUNK, D_MODEL), jnp.float32),
        pltpu.VMEM((CHUNK, D_MODEL), jnp.float32),
        pltpu.SemaphoreType.DMA,
        pltpu.SemaphoreType.DMA,
    ],
)
def _embed(x_hbm, table_hbm, pe_hbm, out_hbm, idx_v, rows_v, pos_v, gsem, psem):
    wid = lax.axis_index("s") * NUM_CORES + lax.axis_index("c")
    base = wid * ROWS_PER_W
    pbase = lax.rem(base, SEQ)
    scale = jnp.float32(SCALE)

    def chunk_body(c, carry):
        r0 = base + c * CHUNK
        p0 = pbase + c * CHUNK
        pltpu.sync_copy(x_hbm.at[pl.ds(r0, CHUNK)], idx_v)
        g = pltpu.async_copy(table_hbm.at[idx_v], rows_v, gsem)
        p = pltpu.async_copy(pe_hbm.at[pl.ds(p0, CHUNK)], pos_v, psem)
        g.wait()
        p.wait()

        def row_body(j, rcarry):
            for i in range(SLICES):
                sl = pl.ds(i * LANES, LANES)
                rows_v[j, sl] = rows_v[j, sl] * scale + pos_v[j, sl]
            return rcarry

        lax.fori_loop(0, CHUNK, row_body, 0)
        pltpu.sync_copy(rows_v, out_hbm.at[pl.ds(r0, CHUNK)])
        return carry

    lax.fori_loop(0, NUM_CHUNKS, chunk_body, 0)


def kernel(x, table):
    pe = jnp.asarray(_PE)
    out = _embed(x.reshape(ROWS).astype(jnp.int32), table, pe)
    return out.reshape(BATCH, SEQ, D_MODEL)

# --- scband reference (transcript-rebuilt; emitter-appended) ---
"""Pipeline reference for scband-transformer-embedding-83081847374244 (READ-ONLY COPY).

The authoritative reference and input builder live on the scoring server;
editing this copy changes nothing except your own understanding.
"""

import jax, jax.numpy as jnp
import numpy as np
import math

VOCAB_SIZE = 100000
D_MODEL = 1024
MAX_LEN = 8192


def _position_encoding(max_len, d_model):
    pos = jnp.arange(0, max_len, dtype=jnp.float32)[:, None]
    _2i = jnp.arange(0, d_model, 2, dtype=jnp.float32)
    div = jnp.power(10000.0, _2i / d_model)
    enc = jnp.zeros((max_len, d_model), dtype=jnp.float32)
    enc = enc.at[:, 0::2].set(jnp.sin(pos / div))
    enc = enc.at[:, 1::2].set(jnp.cos(pos / div))
    return enc


def setup_inputs(seed: int = 0) -> dict:
    key = jax.random.key(seed)
    k1, k2 = jax.random.split(key)
    x = jax.random.randint(k1, (4, 4096), 0, VOCAB_SIZE, dtype=jnp.int64) if jax.config.jax_enable_x64 else jax.random.randint(k1, (4, 4096), 0, VOCAB_SIZE, dtype=jnp.int32)
    table = jax.random.normal(k2, (VOCAB_SIZE, D_MODEL), dtype=jnp.float32) * 0.02
    return {"x": x, "table": table}


def reference(x, table):
    # TokenEmbedding: embed(x) * sqrt(d_model)
    token_embed = jnp.take(table, x, axis=0) * math.sqrt(D_MODEL)
    # PositionEmbedding: precomputed sinusoidal matrix, sliced to seq_len
    seq_len = x.shape[1]
    pos_embed = _position_encoding(MAX_LEN, D_MODEL)[:seq_len, :]
    # Dropout is identity in eval/reference mode
    return token_embed + pos_embed[None, :, :]

if __name__ == "__main__":
    import jax
    _d = setup_inputs()
    print(jax.jit(kernel)(*tuple(_d.values())))

</pallas_src>

<mosaic_0001>
#map = affine_map<(d0, d1) -> (0)>
#map1 = affine_map<(d0, d1) -> (0, 0)>
module attributes {stable_mosaic.version = 14 : i64} {
  func.func @_embed(%arg0: i32, %arg1: i32, %arg2: memref<16384xi32, #tpu.memory_space<hbm>>, %arg3: memref<100000x1024xf32, #tpu.memory_space<hbm>>, %arg4: memref<4096x1024xf32, #tpu.memory_space<hbm>>, %arg5: memref<16384x1024xf32, #tpu.memory_space<hbm>>, %arg6: memref<16xi32, #tpu.memory_space<vmem>>, %arg7: memref<16x1024xf32, #tpu.memory_space<vmem>>, %arg8: memref<16x1024xf32, #tpu.memory_space<vmem>>, %arg9: memref<!tpu.dma_semaphore, #tpu.memory_space<semaphore_mem>>, %arg10: memref<!tpu.dma_semaphore, #tpu.memory_space<semaphore_mem>>) attributes {dimension_semantics = [#tpu.dimension_semantics<core_parallel>, #tpu.dimension_semantics<subcore_parallel>], iteration_bounds = array<i64: 2, 16>, scalar_prefetch = 0 : i64, scratch_operands = 5 : i64, tpu.core_type = #tpu.core_type<sc_vector_subcore>, window_params = [{transform_indices = #map}, {transform_indices = #map1}, {transform_indices = #map1}, {transform_indices = #map1}]} {
    %mul3A = arith.constant 2 : i32
    %mul3A_0 = arith.muli %arg1, %mul3A : i32
    %add3A = arith.addi %mul3A_0, %arg0 : i32
    %mul3A_1 = arith.constant 512 : i32
    %mul3A_2 = arith.muli %add3A, %mul3A_1 : i32
    %rem3A = arith.constant 4096 : i32
    %rem3A_3 = arith.remsi %mul3A_2, %rem3A : i32
    %scan3A = arith.constant 0 : i32
    %scan3A_4 = arith.constant 3.200000e+01 : f32
    %scan3A_5 = arith.constant 0 : i32
    %scan3A_6 = arith.constant 32 : i32
    %scan3A_7 = arith.addi %scan3A_5, %scan3A_6 : i32
    %scan3A_8 = arith.constant 1 : i32
    scf.for %scan3A_10 = %scan3A_5 to %scan3A_7 step %scan3A_8  : i32 {
      %mul3A_11 = arith.constant 16 : i32
      %mul3A_12 = arith.muli %scan3A_10, %mul3A_11 : i32
      %add3A_13 = arith.addi %mul3A_2, %mul3A_12 : i32
      %mul3A_14 = arith.constant 16 : i32
      %mul3A_15 = arith.muli %scan3A_10, %mul3A_14 : i32
      %add3A_16 = arith.addi %rem3A_3, %mul3A_15 : i32
      "tpu.region"() ({
        %run_scoped3A = tpu.sem_alloc : memref<!tpu.dma_semaphore, #tpu.memory_space<semaphore_mem>>
        %dma_start3A_35 = tpu.memref_slice %arg2[%add3A_13] : memref<16384xi32, #tpu.memory_space<hbm>> -> memref<16xi32, #tpu.memory_space<hbm>>
        %dma_start3A_36 = tpu.memref_slice %arg2[%add3A_13] : memref<16384xi32, #tpu.memory_space<hbm>> -> memref<16xi32, #tpu.memory_space<hbm>>
        tpu.enqueue_dma source(%dma_start3A_36 : memref<16xi32, #tpu.memory_space<hbm>>) target(%arg6 : memref<16xi32, #tpu.memory_space<vmem>>) target_semaphore(%run_scoped3A : memref<!tpu.dma_semaphore, #tpu.memory_space<semaphore_mem>>)
        %dma_wait3A_37 = tpu.memref_slice %arg2[%add3A_13] : memref<16384xi32, #tpu.memory_space<hbm>> -> memref<16xi32, #tpu.memory_space<hbm>>
        %dma_wait3A_38 = tpu.memref_slice %arg2[%add3A_13] : memref<16384xi32, #tpu.memory_space<hbm>> -> memref<16xi32, #tpu.memory_space<hbm>>
        tpu.wait_dma2 semaphore(%run_scoped3A : memref<!tpu.dma_semaphore, #tpu.memory_space<semaphore_mem>>) src(%dma_wait3A_38 : memref<16xi32, #tpu.memory_space<hbm>>) dst(%arg6 : memref<16xi32, #tpu.memory_space<vmem>>)
        tpu.yield
      }) : () -> ()
      %dma_start3A = arith.constant 0 : i32
      %dma_start3A_17 = arith.constant 0 : i32
      %dma_start3A_18 = tpu.memref_slice %arg3[%dma_start3A, %dma_start3A_17] : memref<100000x1024xf32, #tpu.memory_space<hbm>> -> memref<100000x1024xf32, #tpu.memory_space<hbm>>
      tpu.enqueue_indirect_dma source(%dma_start3A_18 : memref<100000x1024xf32, #tpu.memory_space<hbm>>) target(%arg7 : memref<16x1024xf32, #tpu.memory_space<vmem>>) offsets(%arg6 : memref<16xi32, #tpu.memory_space<vmem>>) semaphore(%arg9 : memref<!tpu.dma_semaphore, #tpu.memory_space<semaphore_mem>>)
      %dma_start3A_19 = arith.constant 0 : i32
      %dma_start3A_20 = tpu.memref_slice %arg4[%add3A_16, %dma_start3A_19] : memref<4096x1024xf32, #tpu.memory_space<hbm>> -> memref<16x1024xf32, #tpu.memory_space<hbm>>
      %dma_start3A_21 = arith.constant 0 : i32
      %dma_start3A_22 = tpu.memref_slice %arg4[%add3A_16, %dma_start3A_21] : memref<4096x1024xf32, #tpu.memory_space<hbm>> -> memref<16x1024xf32, #tpu.memory_space<hbm>>
      tpu.enqueue_dma source(%dma_start3A_22 : memref<16x1024xf32, #tpu.memory_space<hbm>>) target(%arg8 : memref<16x1024xf32, #tpu.memory_space<vmem>>) target_semaphore(%arg10 : memref<!tpu.dma_semaphore, #tpu.memory_space<semaphore_mem>>)
      %dma_wait3A = arith.constant 0 : i32
      %dma_wait3A_23 = arith.constant 0 : i32
      %dma_wait3A_24 = tpu.memref_slice %arg3[%dma_wait3A, %dma_wait3A_23] : memref<100000x1024xf32, #tpu.memory_space<hbm>> -> memref<100000x1024xf32, #tpu.memory_space<hbm>>
      tpu.wait_indirect_dma semaphore(%arg9 : memref<!tpu.dma_semaphore, #tpu.memory_space<semaphore_mem>>) src(%dma_wait3A_24 : memref<100000x1024xf32, #tpu.memory_space<hbm>>) dst(%arg7 : memref<16x1024xf32, #tpu.memory_space<vmem>>)
      %dma_wait3A_25 = arith.constant 0 : i32
      %dma_wait3A_26 = tpu.memref_slice %arg4[%add3A_16, %dma_wait3A_25] : memref<4096x1024xf32, #tpu.memory_space<hbm>> -> memref<16x1024xf32, #tpu.memory_space<hbm>>
      %dma_wait3A_27 = arith.constant 0 : i32
      %dma_wait3A_28 = tpu.memref_slice %arg4[%add3A_16, %dma_wait3A_27] : memref<4096x1024xf32, #tpu.memory_space<hbm>> -> memref<16x1024xf32, #tpu.memory_space<hbm>>
      tpu.wait_dma2 semaphore(%arg10 : memref<!tpu.dma_semaphore, #tpu.memory_space<semaphore_mem>>) src(%dma_wait3A_28 : memref<16x1024xf32, #tpu.memory_space<hbm>>) dst(%arg8 : memref<16x1024xf32, #tpu.memory_space<vmem>>)
      %scan3A_29 = arith.constant 0 : i32
      %scan3A_30 = arith.constant 0 : i32
      %scan3A_31 = arith.constant 16 : i32
      %scan3A_32 = arith.addi %scan3A_30, %scan3A_31 : i32
      %scan3A_33 = arith.constant 1 : i32
      scf.for %scan3A_35 = %scan3A_30 to %scan3A_32 step %scan3A_33  : i32 {
        %get3A = arith.index_cast %scan3A_35 : i32 to index
        %get3A_36 = arith.constant 0 : index
        %get3A_37 = tpu.vector_load %arg7[%get3A, %get3A_36] {strides = array<i32>} : memref<16x1024xf32, #tpu.memory_space<vmem>>, vector<1x16xf32>,
        %get3A_38 = vector.shape_cast %get3A_37 : vector<1x16xf32> to vector<16xf32>
        %mul3A_39 = vector.broadcast %scan3A_4 : f32 to vector<16xf32>
        %mul3A_40 = arith.mulf %get3A_38, %mul3A_39 : vector<16xf32>
        %get3A_41 = arith.index_cast %scan3A_35 : i32 to index
        %get3A_42 = arith.constant 0 : index
        %get3A_43 = tpu.vector_load %arg8[%get3A_41, %get3A_42] {strides = array<i32>} : memref<16x1024xf32, #tpu.memory_space<vmem>>, vector<1x16xf32>,
        %get3A_44 = vector.shape_cast %get3A_43 : vector<1x16xf32> to vector<16xf32>
        %add3A_45 = arith.addf %mul3A_40, %get3A_44 : vector<16xf32>
        %swap3A = arith.index_cast %scan3A_35 : i32 to index
        %swap3A_46 = arith.constant 0 : index
        %swap3A_47 = tpu.vector_load %arg7[%swap3A, %swap3A_46] {strides = array<i32>} : memref<16x1024xf32, #tpu.memory_space<vmem>>, vector<1x16xf32>,
        %swap3A_48 = vector.shape_cast %swap3A_47 : vector<1x16xf32> to vector<16xf32>
        %swap3A_49 = vector.shape_cast %add3A_45 : vector<16xf32> to vector<1x16xf32>
        tpu.vector_store %arg7[%swap3A, %swap3A_46], %swap3A_49 {strides = array<i32>} : memref<16x1024xf32, #tpu.memory_space<vmem>>, vector<1x16xf32>,
        %get3A_50 = arith.index_cast %scan3A_35 : i32 to index
        %get3A_51 = arith.constant 16 : index
        %get3A_52 = tpu.vector_load %arg7[%get3A_50, %get3A_51] {strides = array<i32>} : memref<16x1024xf32, #tpu.memory_space<vmem>>, vector<1x16xf32>,
        %get3A_53 = vector.shape_cast %get3A_52 : vector<1x16xf32> to vector<16xf32>
        %mul3A_54 = vector.broadcast %scan3A_4 : f32 to vector<16xf32>
        %mul3A_55 = arith.mulf %get3A_53, %mul3A_54 : vector<16xf32>
        %get3A_56 = arith.index_cast %scan3A_35 : i32 to index
        %get3A_57 = arith.constant 16 : index
        %get3A_58 = tpu.vector_load %arg8[%get3A_56, %get3A_57] {strides = array<i32>} : memref<16x1024xf32, #tpu.memory_space<vmem>>, vector<1x16xf32>,
        %get3A_59 = vector.shape_cast %get3A_58 : vector<1x16xf32> to vector<16xf32>
        %add3A_60 = arith.addf %mul3A_55, %get3A_59 : vector<16xf32>
        %swap3A_61 = arith.index_cast %scan3A_35 : i32 to index
        %swap3A_62 = arith.constant 16 : index
        %swap3A_63 = tpu.vector_load %arg7[%swap3A_61, %swap3A_62] {strides = array<i32>} : memref<16x1024xf32, #tpu.memory_space<vmem>>, vector<1x16xf32>,
        %swap3A_64 = vector.shape_cast %swap3A_63 : vector<1x16xf32> to vector<16xf32>
        %swap3A_65 = vector.shape_cast %add3A_60 : vector<16xf32> to vector<1x16xf32>
        tpu.vector_store %arg7[%swap3A_61, %swap3A_62], %swap3A_65 {strides = array<i32>} : memref<16x1024xf32, #tpu.memory_space<vmem>>, vector<1x16xf32>,
        %get3A_66 = arith.index_cast %scan3A_35 : i32 to index
        %get3A_67 = arith.constant 32 : index
        %get3A_68 = tpu.vector_load %arg7[%get3A_66, %get3A_67] {strides = array<i32>} : memref<16x1024xf32, #tpu.memory_space<vmem>>, vector<1x16xf32>,
        %get3A_69 = vector.shape_cast %get3A_68 : vector<1x16xf32> to vector<16xf32>
        %mul3A_70 = vector.broadcast %scan3A_4 : f32 to vector<16xf32>
        %mul3A_71 = arith.mulf %get3A_69, %mul3A_70 : vector<16xf32>
        %get3A_72 = arith.index_cast %scan3A_35 : i32 to index
        %get3A_73 = arith.constant 32 : index
        %get3A_74 = tpu.vector_load %arg8[%get3A_72, %get3A_73] {strides = array<i32>} : memref<16x1024xf32, #tpu.memory_space<vmem>>, vector<1x16xf32>,
        %get3A_75 = vector.shape_cast %get3A_74 : vector<1x16xf32> to vector<16xf32>
        %add3A_76 = arith.addf %mul3A_71, %get3A_75 : vector<16xf32>
        %swap3A_77 = arith.index_cast %scan3A_35 : i32 to index
        %swap3A_78 = arith.constant 32 : index
        %swap3A_79 = tpu.vector_load %arg7[%swap3A_77, %swap3A_78] {strides = array<i32>} : memref<16x1024xf32, #tpu.memory_space<vmem>>, vector<1x16xf32>,
        %swap3A_80 = vector.shape_cast %swap3A_79 : vector<1x16xf32> to vector<16xf32>
        %swap3A_81 = vector.shape_cast %add3A_76 : vector<16xf32> to vector<1x16xf32>
        tpu.vector_store %arg7[%swap3A_77, %swap3A_78], %swap3A_81 {strides = array<i32>} : memref<16x1024xf32, #tpu.memory_space<vmem>>, vector<1x16xf32>,
        %get3A_82 = arith.index_cast %scan3A_35 : i32 to index
        %get3A_83 = arith.constant 48 : index
        %get3A_84 = tpu.vector_load %arg7[%get3A_82, %get3A_83] {strides = array<i32>} : memref<16x1024xf32, #tpu.memory_space<vmem>>, vector<1x16xf32>,
        %get3A_85 = vector.shape_cast %get3A_84 : vector<1x16xf32> to vector<16xf32>
        %mul3A_86 = vector.broadcast %scan3A_4 : f32 to vector<16xf32>
        %mul3A_87 = arith.mulf %get3A_85, %mul3A_86 : vector<16xf32>
        %get3A_88 = arith.index_cast %scan3A_35 : i32 to index
        %get3A_89 = arith.constant 48 : index
        %get3A_90 = tpu.vector_load %arg8[%get3A_88, %get3A_89] {strides = array<i32>} : memref<16x1024xf32, #tpu.memory_space<vmem>>, vector<1x16xf32>,
        %get3A_91 = vector.shape_cast %get3A_90 : vector<1x16xf32> to vector<16xf32>
        %add3A_92 = arith.addf %mul3A_87, %get3A_91 : vector<16xf32>
        %swap3A_93 = arith.index_cast %scan3A_35 : i32 to index
        %swap3A_94 = arith.constant 48 : index
        %swap3A_95 = tpu.vector_load %arg7[%swap3A_93, %swap3A_94] {strides = array<i32>} : memref<16x1024xf32, #tpu.memory_space<vmem>>, vector<1x16xf32>,
        %swap3A_96 = vector.shape_cast %swap3A_95 : vector<1x16xf32> to vector<16xf32>
        %swap3A_97 = vector.shape_cast %add3A_92 : vector<16xf32> to vector<1x16xf32>
        tpu.vector_store %arg7[%swap3A_93, %swap3A_94], %swap3A_97 {strides = array<i32>} : memref<16x1024xf32, #tpu.memory_space<vmem>>, vector<1x16xf32>,
        %get3A_98 = arith.index_cast %scan3A_35 : i32 to index
        %get3A_99 = arith.constant 64 : index
        %get3A_100 = tpu.vector_load %arg7[%get3A_98, %get3A_99] {strides = array<i32>} : memref<16x1024xf32, #tpu.memory_space<vmem>>, vector<1x16xf32>,
        %get3A_101 = vector.shape_cast %get3A_100 : vector<1x16xf32> to vector<16xf32>
        %mul3A_102 = vector.broadcast %scan3A_4 : f32 to vector<16xf32>
        %mul3A_103 = arith.mulf %get3A_101, %mul3A_102 : vector<16xf32>
        %get3A_104 = arith.index_cast %scan3A_35 : i32 to index
        %get3A_105 = arith.constant 64 : index
        %get3A_106 = tpu.vector_load %arg8[%get3A_104, %get3A_105] {strides = array<i32>} : memref<16x1024xf32, #tpu.memory_space<vmem>>, vector<1x16xf32>,
        %get3A_107 = vector.shape_cast %get3A_106 : vector<1x16xf32> to vector<16xf32>
        %add3A_108 = arith.addf %mul3A_103, %get3A_107 : vector<16xf32>
        %swap3A_109 = arith.index_cast %scan3A_35 : i32 to index
        %swap3A_110 = arith.constant 64 : index
        %swap3A_111 = tpu.vector_load %arg7[%swap3A_109, %swap3A_110] {strides = array<i32>} : memref<16x1024xf32, #tpu.memory_space<vmem>>, vector<1x16xf32>,
        %swap3A_112 = vector.shape_cast %swap3A_111 : vector<1x16xf32> to vector<16xf32>
        %swap3A_113 = vector.shape_cast %add3A_108 : vector<16xf32> to vector<1x16xf32>
        tpu.vector_store %arg7[%swap3A_109, %swap3A_110], %swap3A_113 {strides = array<i32>} : memref<16x1024xf32, #tpu.memory_space<vmem>>, vector<1x16xf32>,
        %get3A_114 = arith.index_cast %scan3A_35 : i32 to index
        %get3A_115 = arith.constant 80 : index
        %get3A_116 = tpu.vector_load %arg7[%get3A_114, %get3A_115] {strides = array<i32>} : memref<16x1024xf32, #tpu.memory_space<vmem>>, vector<1x16xf32>,
        %get3A_117 = vector.shape_cast %get3A_116 : vector<1x16xf32> to vector<16xf32>
        %mul3A_118 = vector.broadcast %scan3A_4 : f32 to vector<16xf32>
        %mul3A_119 = arith.mulf %get3A_117, %mul3A_118 : vector<16xf32>
        %get3A_120 = arith.index_cast %scan3A_35 : i32 to index
        %get3A_121 = arith.constant 80 : index
        %get3A_122 = tpu.vector_load %arg8[%get3A_120, %get3A_121] {strides = array<i32>} : memref<16x1024xf32, #tpu.memory_space<vmem>>, vector<1x16xf32>,
        %get3A_123 = vector.shape_cast %get3A_122 : vector<1x16xf32> to vector<16xf32>
        %add3A_124 = arith.addf %mul3A_119, %get3A_123 : vector<16xf32>
        %swap3A_125 = arith.index_cast %scan3A_35 : i32 to index
        %swap3A_126 = arith.constant 80 : index
        %swap3A_127 = tpu.vector_load %arg7[%swap3A_125, %swap3A_126] {strides = array<i32>} : memref<16x1024xf32, #tpu.memory_space<vmem>>, vector<1x16xf32>,
        %swap3A_128 = vector.shape_cast %swap3A_127 : vector<1x16xf32> to vector<16xf32>
        %swap3A_129 = vector.shape_cast %add3A_124 : vector<16xf32> to vector<1x16xf32>
        tpu.vector_store %arg7[%swap3A_125, %swap3A_126], %swap3A_129 {strides = array<i32>} : memref<16x1024xf32, #tpu.memory_space<vmem>>, vector<1x16xf32>,
        %get3A_130 = arith.index_cast %scan3A_35 : i32 to index
        %get3A_131 = arith.constant 96 : index
        %get3A_132 = tpu.vector_load %arg7[%get3A_130, %get3A_131] {strides = array<i32>} : memref<16x1024xf32, #tpu.memory_space<vmem>>, vector<1x16xf32>,
        %get3A_133 = vector.shape_cast %get3A_132 : vector<1x16xf32> to vector<16xf32>
        %mul3A_134 = vector.broadcast %scan3A_4 : f32 to vector<16xf32>
        %mul3A_135 = arith.mulf %get3A_133, %mul3A_134 : vector<16xf32>
        %get3A_136 = arith.index_cast %scan3A_35 : i32 to index
        %get3A_137 = arith.constant 96 : index
        %get3A_138 = tpu.vector_load %arg8[%get3A_136, %get3A_137] {strides = array<i32>} : memref<16x1024xf32, #tpu.memory_space<vmem>>, vector<1x16xf32>,
        %get3A_139 = vector.shape_cast %get3A_138 : vector<1x16xf32> to vector<16xf32>
        %add3A_140 = arith.addf %mul3A_135, %get3A_139 : vector<16xf32>
        %swap3A_141 = arith.index_cast %scan3A_35 : i32 to index
        %swap3A_142 = arith.constant 96 : index
        %swap3A_143 = tpu.vector_load %arg7[%swap3A_141, %swap3A_142] {strides = array<i32>} : memref<16x1024xf32, #tpu.memory_space<vmem>>, vector<1x16xf32>,
        %swap3A_144 = vector.shape_cast %swap3A_143 : vector<1x16xf32> to vector<16xf32>
        %swap3A_145 = vector.shape_cast %add3A_140 : vector<16xf32> to vector<1x16xf32>
        tpu.vector_store %arg7[%swap3A_141, %swap3A_142], %swap3A_145 {strides = array<i32>} : memref<16x1024xf32, #tpu.memory_space<vmem>>, vector<1x16xf32>,
        %get3A_146 = arith.index_cast %scan3A_35 : i32 to index
        %get3A_147 = arith.constant 112 : index
        %get3A_148 = tpu.vector_load %arg7[%get3A_146, %get3A_147] {strides = array<i32>} : memref<16x1024xf32, #tpu.memory_space<vmem>>, vector<1x16xf32>,
        %get3A_149 = vector.shape_cast %get3A_148 : vector<1x16xf32> to vector<16xf32>
        %mul3A_150 = vector.broadcast %scan3A_4 : f32 to vector<16xf32>
        %mul3A_151 = arith.mulf %get3A_149, %mul3A_150 : vector<16xf32>
        %get3A_152 = arith.index_cast %scan3A_35 : i32 to index
        %get3A_153 = arith.constant 112 : index
        %get3A_154 = tpu.vector_load %arg8[%get3A_152, %get3A_153] {strides = array<i32>} : memref<16x1024xf32, #tpu.memory_space<vmem>>, vector<1x16xf32>,
        %get3A_155 = vector.shape_cast %get3A_154 : vector<1x16xf32> to vector<16xf32>
        %add3A_156 = arith.addf %mul3A_151, %get3A_155 : vector<16xf32>
        %swap3A_157 = arith.index_cast %scan3A_35 : i32 to index
        %swap3A_158 = arith.constant 112 : index
        %swap3A_159 = tpu.vector_load %arg7[%swap3A_157, %swap3A_158] {strides = array<i32>} : memref<16x1024xf32, #tpu.memory_space<vmem>>, vector<1x16xf32>,
        %swap3A_160 = vector.shape_cast %swap3A_159 : vector<1x16xf32> to vector<16xf32>
        %swap3A_161 = vector.shape_cast %add3A_156 : vector<16xf32> to vector<1x16xf32>
        tpu.vector_store %arg7[%swap3A_157, %swap3A_158], %swap3A_161 {strides = array<i32>} : memref<16x1024xf32, #tpu.memory_space<vmem>>, vector<1x16xf32>,
        %get3A_162 = arith.index_cast %scan3A_35 : i32 to index
        %get3A_163 = arith.constant 128 : index
        %get3A_164 = tpu.vector_load %arg7[%get3A_162, %get3A_163] {strides = array<i32>} : memref<16x1024xf32, #tpu.memory_space<vmem>>, vector<1x16xf32>,
        %get3A_165 = vector.shape_cast %get3A_164 : vector<1x16xf32> to vector<16xf32>
        %mul3A_166 = vector.broadcast %scan3A_4 : f32 to vector<16xf32>
        %mul3A_167 = arith.mulf %get3A_165, %mul3A_166 : vector<16xf32>
        %get3A_168 = arith.index_cast %scan3A_35 : i32 to index
        %get3A_169 = arith.constant 128 : index
        %get3A_170 = tpu.vector_load %arg8[%get3A_168, %get3A_169] {strides = array<i32>} : memref<16x1024xf32, #tpu.memory_space<vmem>>, vector<1x16xf32>,
        %get3A_171 = vector.shape_cast %get3A_170 : vector<1x16xf32> to vector<16xf32>
        %add3A_172 = arith.addf %mul3A_167, %get3A_171 : vector<16xf32>
        %swap3A_173 = arith.index_cast %scan3A_35 : i32 to index
        %swap3A_174 = arith.constant 128 : index
        %swap3A_175 = tpu.vector_load %arg7[%swap3A_173, %swap3A_174] {strides = array<i32>} : memref<16x1024xf32, #tpu.memory_space<vmem>>, vector<1x16xf32>,
        %swap3A_176 = vector.shape_cast %swap3A_175 : vector<1x16xf32> to vector<16xf32>
        %swap3A_177 = vector.shape_cast %add3A_172 : vector<16xf32> to vector<1x16xf32>
        tpu.vector_store %arg7[%swap3A_173, %swap3A_174], %swap3A_177 {strides = array<i32>} : memref<16x1024xf32, #tpu.memory_space<vmem>>, vector<1x16xf32>,
        %get3A_178 = arith.index_cast %scan3A_35 : i32 to index
        %get3A_179 = arith.constant 144 : index
        %get3A_180 = tpu.vector_load %arg7[%get3A_178, %get3A_179] {strides = array<i32>} : memref<16x1024xf32, #tpu.memory_space<vmem>>, vector<1x16xf32>,
        %get3A_181 = vector.shape_cast %get3A_180 : vector<1x16xf32> to vector<16xf32>
        %mul3A_182 = vector.broadcast %scan3A_4 : f32 to vector<16xf32>
        %mul3A_183 = arith.mulf %get3A_181, %mul3A_182 : vector<16xf32>
        %get3A_184 = arith.index_cast %scan3A_35 : i32 to index
        %get3A_185 = arith.constant 144 : index
        %get3A_186 = tpu.vector_load %arg8[%get3A_184, %get3A_185] {strides = array<i32>} : memref<16x1024xf32, #tpu.memory_space<vmem>>, vector<1x16xf32>,
        %get3A_187 = vector.shape_cast %get3A_186 : vector<1x16xf32> to vector<16xf32>
        %add3A_188 = arith.addf %mul3A_183, %get3A_187 : vector<16xf32>
        %swap3A_189 = arith.index_cast %scan3A_35 : i32 to index
        %swap3A_190 = arith.constant 144 : index
        %swap3A_191 = tpu.vector_load %arg7[%swap3A_189, %swap3A_190] {strides = array<i32>} : memref<16x1024xf32, #tpu.memory_space<vmem>>, vector<1x16xf32>,
        %swap3A_192 = vector.shape_cast %swap3A_191 : vector<1x16xf32> to vector<16xf32>
        %swap3A_193 = vector.shape_cast %add3A_188 : vector<16xf32> to vector<1x16xf32>
        tpu.vector_store %arg7[%swap3A_189, %swap3A_190], %swap3A_193 {strides = array<i32>} : memref<16x1024xf32, #tpu.memory_space<vmem>>, vector<1x16xf32>,
        %get3A_194 = arith.index_cast %scan3A_35 : i32 to index
        %get3A_195 = arith.constant 160 : index
        %get3A_196 = tpu.vector_load %arg7[%get3A_194, %get3A_195] {strides = array<i32>} : memref<16x1024xf32, #tpu.memory_space<vmem>>, vector<1x16xf32>,
        %get3A_197 = vector.shape_cast %get3A_196 : vector<1x16xf32> to vector<16xf32>
        %mul3A_198 = vector.broadcast %scan3A_4 : f32 to vector<16xf32>
        %mul3A_199 = arith.mulf %get3A_197, %mul3A_198 : vector<16xf32>
        %get3A_200 = arith.index_cast %scan3A_35 : i32 to index
        %get3A_201 = arith.constant 160 : index
        %get3A_202 = tpu.vector_load %arg8[%get3A_200, %get3A_201] {strides = array<i32>} : memref<16x1024xf32, #tpu.memory_space<vmem>>, vector<1x16xf32>,
        %get3A_203 = vector.shape_cast %get3A_202 : vector<1x16xf32> to vector<16xf32>
        %add3A_204 = arith.addf %mul3A_199, %get3A_203 : vector<16xf32>
        %swap3A_205 = arith.index_cast %scan3A_35 : i32 to index
        %swap3A_206 = arith.constant 160 : index
        %swap3A_207 = tpu.vector_load %arg7[%swap3A_205, %swap3A_206] {strides = array<i32>} : memref<16x1024xf32, #tpu.memory_space<vmem>>, vector<1x16xf32>,
        %swap3A_208 = vector.shape_cast %swap3A_207 : vector<1x16xf32> to vector<16xf32>
        %swap3A_209 = vector.shape_cast %add3A_204 : vector<16xf32> to vector<1x16xf32>
        tpu.vector_store %arg7[%swap3A_205, %swap3A_206], %swap3A_209 {strides = array<i32>} : memref<16x1024xf32, #tpu.memory_space<vmem>>, vector<1x16xf32>,
        %get3A_210 = arith.index_cast %scan3A_35 : i32 to index
        %get3A_211 = arith.constant 176 : index
        %get3A_212 = tpu.vector_load %arg7[%get3A_210, %get3A_211] {strides = array<i32>} : memref<16x1024xf32, #tpu.memory_space<vmem>>, vector<1x16xf32>,
        %get3A_213 = vector.shape_cast %get3A_212 : vector<1x16xf32> to vector<16xf32>
        %mul3A_214 = vector.broadcast %scan3A_4 : f32 to vector<16xf32>
        %mul3A_215 = arith.mulf %get3A_213, %mul3A_214 : vector<16xf32>
        %get3A_216 = arith.index_cast %scan3A_35 : i32 to index
        %get3A_217 = arith.constant 176 : index
        %get3A_218 = tpu.vector_load %arg8[%get3A_216, %get3A_217] {strides = array<i32>} : memref<16x1024xf32, #tpu.memory_space<vmem>>, vector<1x16xf32>,
        %get3A_219 = vector.shape_cast %get3A_218 : vector<1x16xf32> to vector<16xf32>
        %add3A_220 = arith.addf %mul3A_215, %get3A_219 : vector<16xf32>
        %swap3A_221 = arith.index_cast %scan3A_35 : i32 to index
        %swap3A_222 = arith.constant 176 : index
        %swap3A_223 = tpu.vector_load %arg7[%swap3A_221, %swap3A_222] {strides = array<i32>} : memref<16x1024xf32, #tpu.memory_space<vmem>>, vector<1x16xf32>,
        %swap3A_224 = vector.shape_cast %swap3A_223 : vector<1x16xf32> to vector<16xf32>
        %swap3A_225 = vector.shape_cast %add3A_220 : vector<16xf32> to vector<1x16xf32>
        tpu.vector_store %arg7[%swap3A_221, %swap3A_222], %swap3A_225 {strides = array<i32>} : memref<16x1024xf32, #tpu.memory_space<vmem>>, vector<1x16xf32>,
        %get3A_226 = arith.index_cast %scan3A_35 : i32 to index
        %get3A_227 = arith.constant 192 : index
        %get3A_228 = tpu.vector_load %arg7[%get3A_226, %get3A_227] {strides = array<i32>} : memref<16x1024xf32, #tpu.memory_space<vmem>>, vector<1x16xf32>,
        %get3A_229 = vector.shape_cast %get3A_228 : vector<1x16xf32> to vector<16xf32>
        %mul3A_230 = vector.broadcast %scan3A_4 : f32 to vector<16xf32>
        %mul3A_231 = arith.mulf %get3A_229, %mul3A_230 : vector<16xf32>
        %get3A_232 = arith.index_cast %scan3A_35 : i32 to index
        %get3A_233 = arith.constant 192 : index
        %get3A_234 = tpu.vector_load %arg8[%get3A_232, %get3A_233] {strides = array<i32>} : memref<16x1024xf32, #tpu.memory_space<vmem>>, vector<1x16xf32>,
        %get3A_235 = vector.shape_cast %get3A_234 : vector<1x16xf32> to vector<16xf32>
        %add3A_236 = arith.addf %mul3A_231, %get3A_235 : vector<16xf32>
        %swap3A_237 = arith.index_cast %scan3A_35 : i32 to index
        %swap3A_238 = arith.constant 192 : index
        %swap3A_239 = tpu.vector_load %arg7[%swap3A_237, %swap3A_238] {strides = array<i32>} : memref<16x1024xf32, #tpu.memory_space<vmem>>, vector<1x16xf32>,
        %swap3A_240 = vector.shape_cast %swap3A_239 : vector<1x16xf32> to vector<16xf32>
        %swap3A_241 = vector.shape_cast %add3A_236 : vector<16xf32> to vector<1x16xf32>
        tpu.vector_store %arg7[%swap3A_237, %swap3A_238], %swap3A_241 {strides = array<i32>} : memref<16x1024xf32, #tpu.memory_space<vmem>>, vector<1x16xf32>,
        %get3A_242 = arith.index_cast %scan3A_35 : i32 to index
        %get3A_243 = arith.constant 208 : index
        %get3A_244 = tpu.vector_load %arg7[%get3A_242, %get3A_243] {strides = array<i32>} : memref<16x1024xf32, #tpu.memory_space<vmem>>, vector<1x16xf32>,
        %get3A_245 = vector.shape_cast %get3A_244 : vector<1x16xf32> to vector<16xf32>
        %mul3A_246 = vector.broadcast %scan3A_4 : f32 to vector<16xf32>
        %mul3A_247 = arith.mulf %get3A_245, %mul3A_246 : vector<16xf32>
        %get3A_248 = arith.index_cast %scan3A_35 : i32 to index
        %get3A_249 = arith.constant 208 : index
        %get3A_250 = tpu.vector_load %arg8[%get3A_248, %get3A_249] {strides = array<i32>} : memref<16x1024xf32, #tpu.memory_space<vmem>>, vector<1x16xf32>,
        %get3A_251 = vector.shape_cast %get3A_250 : vector<1x16xf32> to vector<16xf32>
        %add3A_252 = arith.addf %mul3A_247, %get3A_251 : vector<16xf32>
        %swap3A_253 = arith.index_cast %scan3A_35 : i32 to index
        %swap3A_254 = arith.constant 208 : index
        %swap3A_255 = tpu.vector_load %arg7[%swap3A_253, %swap3A_254] {strides = array<i32>} : memref<16x1024xf32, #tpu.memory_space<vmem>>, vector<1x16xf32>,
        %swap3A_256 = vector.shape_cast %swap3A_255 : vector<1x16xf32> to vector<16xf32>
        %swap3A_257 = vector.shape_cast %add3A_252 : vector<16xf32> to vector<1x16xf32>
        tpu.vector_store %arg7[%swap3A_253, %swap3A_254], %swap3A_257 {strides = array<i32>} : memref<16x1024xf32, #tpu.memory_space<vmem>>, vector<1x16xf32>,
        %get3A_258 = arith.index_cast %scan3A_35 : i32 to index
        %get3A_259 = arith.constant 224 : index
        %get3A_260 = tpu.vector_load %arg7[%get3A_258, %get3A_259] {strides = array<i32>} : memref<16x1024xf32, #tpu.memory_space<vmem>>, vector<1x16xf32>,
        %get3A_261 = vector.shape_cast %get3A_260 : vector<1x16xf32> to vector<16xf32>
        %mul3A_262 = vector.broadcast %scan3A_4 : f32 to vector<16xf32>
        %mul3A_263 = arith.mulf %get3A_261, %mul3A_262 : vector<16xf32>
        %get3A_264 = arith.index_cast %scan3A_35 : i32 to index
        %get3A_265 = arith.constant 224 : index
        %get3A_266 = tpu.vector_load %arg8[%get3A_264, %get3A_265] {strides = array<i32>} : memref<16x1024xf32, #tpu.memory_space<vmem>>, vector<1x16xf32>,
        %get3A_267 = vector.shape_cast %get3A_266 : vector<1x16xf32> to vector<16xf32>
        %add3A_268 = arith.addf %mul3A_263, %get3A_267 : vector<16xf32>
        %swap3A_269 = arith.index_cast %scan3A_35 : i32 to index
        %swap3A_270 = arith.constant 224 : index
        %swap3A_271 = tpu.vector_load %arg7[%swap3A_269, %swap3A_270] {strides = array<i32>} : memref<16x1024xf32, #tpu.memory_space<vmem>>, vector<1x16xf32>,
        %swap3A_272 = vector.shape_cast %swap3A_271 : vector<1x16xf32> to vector<16xf32>
        %swap3A_273 = vector.shape_cast %add3A_268 : vector<16xf32> to vector<1x16xf32>
        tpu.vector_store %arg7[%swap3A_269, %swap3A_270], %swap3A_273 {strides = array<i32>} : memref<16x1024xf32, #tpu.memory_space<vmem>>, vector<1x16xf32>,
        %get3A_274 = arith.index_cast %scan3A_35 : i32 to index
        %get3A_275 = arith.constant 240 : index
        %get3A_276 = tpu.vector_load %arg7[%get3A_274, %get3A_275] {strides = array<i32>} : memref<16x1024xf32, #tpu.memory_space<vmem>>, vector<1x16xf32>,
        %get3A_277 = vector.shape_cast %get3A_276 : vector<1x16xf32> to vector<16xf32>
        %mul3A_278 = vector.broadcast %scan3A_4 : f32 to vector<16xf32>
        %mul3A_279 = arith.mulf %get3A_277, %mul3A_278 : vector<16xf32>
        %get3A_280 = arith.index_cast %scan3A_35 : i32 to index
        %get3A_281 = arith.constant 240 : index
        %get3A_282 = tpu.vector_load %arg8[%get3A_280, %get3A_281] {strides = array<i32>} : memref<16x1024xf32, #tpu.memory_space<vmem>>, vector<1x16xf32>,
        %get3A_283 = vector.shape_cast %get3A_282 : vector<1x16xf32> to vector<16xf32>
        %add3A_284 = arith.addf %mul3A_279, %get3A_283 : vector<16xf32>
        %swap3A_285 = arith.index_cast %scan3A_35 : i32 to index
        %swap3A_286 = arith.constant 240 : index
        %swap3A_287 = tpu.vector_load %arg7[%swap3A_285, %swap3A_286] {strides = array<i32>} : memref<16x1024xf32, #tpu.memory_space<vmem>>, vector<1x16xf32>,
        %swap3A_288 = vector.shape_cast %swap3A_287 : vector<1x16xf32> to vector<16xf32>
        %swap3A_289 = vector.shape_cast %add3A_284 : vector<16xf32> to vector<1x16xf32>
        tpu.vector_store %arg7[%swap3A_285, %swap3A_286], %swap3A_289 {strides = array<i32>} : memref<16x1024xf32, #tpu.memory_space<vmem>>, vector<1x16xf32>,
        %get3A_290 = arith.index_cast %scan3A_35 : i32 to index
        %get3A_291 = arith.constant 256 : index
        %get3A_292 = tpu.vector_load %arg7[%get3A_290, %get3A_291] {strides = array<i32>} : memref<16x1024xf32, #tpu.memory_space<vmem>>, vector<1x16xf32>,
        %get3A_293 = vector.shape_cast %get3A_292 : vector<1x16xf32> to vector<16xf32>
        %mul3A_294 = vector.broadcast %scan3A_4 : f32 to vector<16xf32>
        %mul3A_295 = arith.mulf %get3A_293, %mul3A_294 : vector<16xf32>
        %get3A_296 = arith.index_cast %scan3A_35 : i32 to index
        %get3A_297 = arith.constant 256 : index
        %get3A_298 = tpu.vector_load %arg8[%get3A_296, %get3A_297] {strides = array<i32>} : memref<16x1024xf32, #tpu.memory_space<vmem>>, vector<1x16xf32>,
        %get3A_299 = vector.shape_cast %get3A_298 : vector<1x16xf32> to vector<16xf32>
        %add3A_300 = arith.addf %mul3A_295, %get3A_299 : vector<16xf32>
        %swap3A_301 = arith.index_cast %scan3A_35 : i32 to index
        %swap3A_302 = arith.constant 256 : index
        %swap3A_303 = tpu.vector_load %arg7[%swap3A_301, %swap3A_302] {strides = array<i32>} : memref<16x1024xf32, #tpu.memory_space<vmem>>, vector<1x16xf32>,
        %swap3A_304 = vector.shape_cast %swap3A_303 : vector<1x16xf32> to vector<16xf32>
        %swap3A_305 = vector.shape_cast %add3A_300 : vector<16xf32> to vector<1x16xf32>
        tpu.vector_store %arg7[%swap3A_301, %swap3A_302], %swap3A_305 {strides = array<i32>} : memref<16x1024xf32, #tpu.memory_space<vmem>>, vector<1x16xf32>,
        %get3A_306 = arith.index_cast %scan3A_35 : i32 to index
        %get3A_307 = arith.constant 272 : index
        %get3A_308 = tpu.vector_load %arg7[%get3A_306, %get3A_307] {strides = array<i32>} : memref<16x1024xf32, #tpu.memory_space<vmem>>, vector<1x16xf32>,
        %get3A_309 = vector.shape_cast %get3A_308 : vector<1x16xf32> to vector<16xf32>
        %mul3A_310 = vector.broadcast %scan3A_4 : f32 to vector<16xf32>
        %mul3A_311 = arith.mulf %get3A_309, %mul3A_310 : vector<16xf32>
        %get3A_312 = arith.index_cast %scan3A_35 : i32 to index
        %get3A_313 = arith.constant 272 : index
        %get3A_314 = tpu.vector_load %arg8[%get3A_312, %get3A_313] {strides = array<i32>} : memref<16x1024xf32, #tpu.memory_space<vmem>>, vector<1x16xf32>,
        %get3A_315 = vector.shape_cast %get3A_314 : vector<1x16xf32> to vector<16xf32>
        %add3A_316 = arith.addf %mul3A_311, %get3A_315 : vector<16xf32>
        %swap3A_317 = arith.index_cast %scan3A_35 : i32 to index
        %swap3A_318 = arith.constant 272 : index
        %swap3A_319 = tpu.vector_load %arg7[%swap3A_317, %swap3A_318] {strides = array<i32>} : memref<16x1024xf32, #tpu.memory_space<vmem>>, vector<1x16xf32>,
        %swap3A_320 = vector.shape_cast %swap3A_319 : vector<1x16xf32> to vector<16xf32>
        %swap3A_321 = vector.shape_cast %add3A_316 : vector<16xf32> to vector<1x16xf32>
        tpu.vector_store %arg7[%swap3A_317, %swap3A_318], %swap3A_321 {strides = array<i32>} : memref<16x1024xf32, #tpu.memory_space<vmem>>, vector<1x16xf32>,
        %get3A_322 = arith.index_cast %scan3A_35 : i32 to index
        %get3A_323 = arith.constant 288 : index
        %get3A_324 = tpu.vector_load %arg7[%get3A_322, %get3A_323] {strides = array<i32>} : memref<16x1024xf32, #tpu.memory_space<vmem>>, vector<1x16xf32>,
        %get3A_325 = vector.shape_cast %get3A_324 : vector<1x16xf32> to vector<16xf32>
        %mul3A_326 = vector.broadcast %scan3A_4 : f32 to vector<16xf32>
        %mul3A_327 = arith.mulf %get3A_325, %mul3A_326 : vector<16xf32>
        %get3A_328 = arith.index_cast %scan3A_35 : i32 to index
        %get3A_329 = arith.constant 288 : index
        %get3A_330 = tpu.vector_load %arg8[%get3A_328, %get3A_329] {strides = array<i32>} : memref<16x1024xf32, #tpu.memory_space<vmem>>, vector<1x16xf32>,
        %get3A_331 = vector.shape_cast %get3A_330 : vector<1x16xf32> to vector<16xf32>
        %add3A_332 = arith.addf %mul3A_327, %get3A_331 : vector<16xf32>
        %swap3A_333 = arith.index_cast %scan3A_35 : i32 to index
        %swap3A_334 = arith.constant 288 : index
        %swap3A_335 = tpu.vector_load %arg7[%swap3A_333, %swap3A_334] {strides = array<i32>} : memref<16x1024xf32, #tpu.memory_space<vmem>>, vector<1x16xf32>,
        %swap3A_336 = vector.shape_cast %swap3A_335 : vector<1x16xf32> to vector<16xf32>
        %swap3A_337 = vector.shape_cast %add3A_332 : vector<16xf32> to vector<1x16xf32>
        tpu.vector_store %arg7[%swap3A_333, %swap3A_334], %swap3A_337 {strides = array<i32>} : memref<16x1024xf32, #tpu.memory_space<vmem>>, vector<1x16xf32>,
        %get3A_338 = arith.index_cast %scan3A_35 : i32 to index
        %get3A_339 = arith.constant 304 : index
        %get3A_340 = tpu.vector_load %arg7[%get3A_338, %get3A_339] {strides = array<i32>} : memref<16x1024xf32, #tpu.memory_space<vmem>>, vector<1x16xf32>,
        %get3A_341 = vector.shape_cast %get3A_340 : vector<1x16xf32> to vector<16xf32>
        %mul3A_342 = vector.broadcast %scan3A_4 : f32 to vector<16xf32>
        %mul3A_343 = arith.mulf %get3A_341, %mul3A_342 : vector<16xf32>
        %get3A_344 = arith.index_cast %scan3A_35 : i32 to index
        %get3A_345 = arith.constant 304 : index
        %get3A_346 = tpu.vector_load %arg8[%get3A_344, %get3A_345] {strides = array<i32>} : memref<16x1024xf32, #tpu.memory_space<vmem>>, vector<1x16xf32>,
        %get3A_347 = vector.shape_cast %get3A_346 : vector<1x16xf32> to vector<16xf32>
        %add3A_348 = arith.addf %mul3A_343, %get3A_347 : vector<16xf32>
        %swap3A_349 = arith.index_cast %scan3A_35 : i32 to index
        %swap3A_350 = arith.constant 304 : index
        %swap3A_351 = tpu.vector_load %arg7[%swap3A_349, %swap3A_350] {strides = array<i32>} : memref<16x1024xf32, #tpu.memory_space<vmem>>, vector<1x16xf32>,
        %swap3A_352 = vector.shape_cast %swap3A_351 : vector<1x16xf32> to vector<16xf32>
        %swap3A_353 = vector.shape_cast %add3A_348 : vector<16xf32> to vector<1x16xf32>
        tpu.vector_store %arg7[%swap3A_349, %swap3A_350], %swap3A_353 {strides = array<i32>} : memref<16x1024xf32, #tpu.memory_space<vmem>>, vector<1x16xf32>,
        %get3A_354 = arith.index_cast %scan3A_35 : i32 to index
        %get3A_355 = arith.constant 320 : index
        %get3A_356 = tpu.vector_load %arg7[%get3A_354, %get3A_355] {strides = array<i32>} : memref<16x1024xf32, #tpu.memory_space<vmem>>, vector<1x16xf32>,
        %get3A_357 = vector.shape_cast %get3A_356 : vector<1x16xf32> to vector<16xf32>
        %mul3A_358 = vector.broadcast %scan3A_4 : f32 to vector<16xf32>
        %mul3A_359 = arith.mulf %get3A_357, %mul3A_358 : vector<16xf32>
        %get3A_360 = arith.index_cast %scan3A_35 : i32 to index
        %get3A_361 = arith.constant 320 : index
        %get3A_362 = tpu.vector_load %arg8[%get3A_360, %get3A_361] {strides = array<i32>} : memref<16x1024xf32, #tpu.memory_space<vmem>>, vector<1x16xf32>,
        %get3A_363 = vector.shape_cast %get3A_362 : vector<1x16xf32> to vector<16xf32>
        %add3A_364 = arith.addf %mul3A_359, %get3A_363 : vector<16xf32>
        %swap3A_365 = arith.index_cast %scan3A_35 : i32 to index
        %swap3A_366 = arith.constant 320 : index
        %swap3A_367 = tpu.vector_load %arg7[%swap3A_365, %swap3A_366] {strides = array<i32>} : memref<16x1024xf32, #tpu.memory_space<vmem>>, vector<1x16xf32>,
        %swap3A_368 = vector.shape_cast %swap3A_367 : vector<1x16xf32> to vector<16xf32>
        %swap3A_369 = vector.shape_cast %add3A_364 : vector<16xf32> to vector<1x16xf32>
        tpu.vector_store %arg7[%swap3A_365, %swap3A_366], %swap3A_369 {strides = array<i32>} : memref<16x1024xf32, #tpu.memory_space<vmem>>, vector<1x16xf32>,
        %get3A_370 = arith.index_cast %scan3A_35 : i32 to index
        %get3A_371 = arith.constant 336 : index
        %get3A_372 = tpu.vector_load %arg7[%get3A_370, %get3A_371] {strides = array<i32>} : memref<16x1024xf32, #tpu.memory_space<vmem>>, vector<1x16xf32>,
        %get3A_373 = vector.shape_cast %get3A_372 : vector<1x16xf32> to vector<16xf32>
        %mul3A_374 = vector.broadcast %scan3A_4 : f32 to vector<16xf32>
        %mul3A_375 = arith.mulf %get3A_373, %mul3A_374 : vector<16xf32>
        %get3A_376 = arith.index_cast %scan3A_35 : i32 to index
        %get3A_377 = arith.constant 336 : index
        %get3A_378 = tpu.vector_load %arg8[%get3A_376, %get3A_377] {strides = array<i32>} : memref<16x1024xf32, #tpu.memory_space<vmem>>, vector<1x16xf32>,
        %get3A_379 = vector.shape_cast %get3A_378 : vector<1x16xf32> to vector<16xf32>
        %add3A_380 = arith.addf %mul3A_375, %get3A_379 : vector<16xf32>
        %swap3A_381 = arith.index_cast %scan3A_35 : i32 to index
        %swap3A_382 = arith.constant 336 : index
        %swap3A_383 = tpu.vector_load %arg7[%swap3A_381, %swap3A_382] {strides = array<i32>} : memref<16x1024xf32, #tpu.memory_space<vmem>>, vector<1x16xf32>,
        %swap3A_384 = vector.shape_cast %swap3A_383 : vector<1x16xf32> to vector<16xf32>
        %swap3A_385 = vector.shape_cast %add3A_380 : vector<16xf32> to vector<1x16xf32>
        tpu.vector_store %arg7[%swap3A_381, %swap3A_382], %swap3A_385 {strides = array<i32>} : memref<16x1024xf32, #tpu.memory_space<vmem>>, vector<1x16xf32>,
        %get3A_386 = arith.index_cast %scan3A_35 : i32 to index
        %get3A_387 = arith.constant 352 : index
        %get3A_388 = tpu.vector_load %arg7[%get3A_386, %get3A_387] {strides = array<i32>} : memref<16x1024xf32, #tpu.memory_space<vmem>>, vector<1x16xf32>,
        %get3A_389 = vector.shape_cast %get3A_388 : vector<1x16xf32> to vector<16xf32>
        %mul3A_390 = vector.broadcast %scan3A_4 : f32 to vector<16xf32>
        %mul3A_391 = arith.mulf %get3A_389, %mul3A_390 : vector<16xf32>
        %get3A_392 = arith.index_cast %scan3A_35 : i32 to index
        %get3A_393 = arith.constant 352 : index
        %get3A_394 = tpu.vector_load %arg8[%get3A_392, %get3A_393] {strides = array<i32>} : memref<16x1024xf32, #tpu.memory_space<vmem>>, vector<1x16xf32>,
        %get3A_395 = vector.shape_cast %get3A_394 : vector<1x16xf32> to vector<16xf32>
        %add3A_396 = arith.addf %mul3A_391, %get3A_395 : vector<16xf32>
        %swap3A_397 = arith.index_cast %scan3A_35 : i32 to index
        %swap3A_398 = arith.constant 352 : index
        %swap3A_399 = tpu.vector_load %arg7[%swap3A_397, %swap3A_398] {strides = array<i32>} : memref<16x1024xf32, #tpu.memory_space<vmem>>, vector<1x16xf32>,
        %swap3A_400 = vector.shape_cast %swap3A_399 : vector<1x16xf32> to vector<16xf32>
        %swap3A_401 = vector.shape_cast %add3A_396 : vector<16xf32> to vector<1x16xf32>
        tpu.vector_store %arg7[%swap3A_397, %swap3A_398], %swap3A_401 {strides = array<i32>} : memref<16x1024xf32, #tpu.memory_space<vmem>>, vector<1x16xf32>,
        %get3A_402 = arith.index_cast %scan3A_35 : i32 to index
        %get3A_403 = arith.constant 368 : index
        %get3A_404 = tpu.vector_load %arg7[%get3A_402, %get3A_403] {strides = array<i32>} : memref<16x1024xf32, #tpu.memory_space<vmem>>, vector<1x16xf32>,
        %get3A_405 = vector.shape_cast %get3A_404 : vector<1x16xf32> to vector<16xf32>
        %mul3A_406 = vector.broadcast %scan3A_4 : f32 to vector<16xf32>
        %mul3A_407 = arith.mulf %get3A_405, %mul3A_406 : vector<16xf32>
        %get3A_408 = arith.index_cast %scan3A_35 : i32 to index
        %get3A_409 = arith.constant 368 : index
        %get3A_410 = tpu.vector_load %arg8[%get3A_408, %get3A_409] {strides = array<i32>} : memref<16x1024xf32, #tpu.memory_space<vmem>>, vector<1x16xf32>,
        %get3A_411 = vector.shape_cast %get3A_410 : vector<1x16xf32> to vector<16xf32>
        %add3A_412 = arith.addf %mul3A_407, %get3A_411 : vector<16xf32>
        %swap3A_413 = arith.index_cast %scan3A_35 : i32 to index
        %swap3A_414 = arith.constant 368 : index
        %swap3A_415 = tpu.vector_load %arg7[%swap3A_413, %swap3A_414] {strides = array<i32>} : memref<16x1024xf32, #tpu.memory_space<vmem>>, vector<1x16xf32>,
        %swap3A_416 = vector.shape_cast %swap3A_415 : vector<1x16xf32> to vector<16xf32>
        %swap3A_417 = vector.shape_cast %add3A_412 : vector<16xf32> to vector<1x16xf32>
        tpu.vector_store %arg7[%swap3A_413, %swap3A_414], %swap3A_417 {strides = array<i32>} : memref<16x1024xf32, #tpu.memory_space<vmem>>, vector<1x16xf32>,
        %get3A_418 = arith.index_cast %scan3A_35 : i32 to index
        %get3A_419 = arith.constant 384 : index
        %get3A_420 = tpu.vector_load %arg7[%get3A_418, %get3A_419] {strides = array<i32>} : memref<16x1024xf32, #tpu.memory_space<vmem>>, vector<1x16xf32>,
        %get3A_421 = vector.shape_cast %get3A_420 : vector<1x16xf32> to vector<16xf32>
        %mul3A_422 = vector.broadcast %scan3A_4 : f32 to vector<16xf32>
        %mul3A_423 = arith.mulf %get3A_421, %mul3A_422 : vector<16xf32>
        %get3A_424 = arith.index_cast %scan3A_35 : i32 to index
        %get3A_425 = arith.constant 384 : index
        %get3A_426 = tpu.vector_load %arg8[%get3A_424, %get3A_425] {strides = array<i32>} : memref<16x1024xf32, #tpu.memory_space<vmem>>, vector<1x16xf32>,
        %get3A_427 = vector.shape_cast %get3A_426 : vector<1x16xf32> to vector<16xf32>
        %add3A_428 = arith.addf %mul3A_423, %get3A_427 : vector<16xf32>
        %swap3A_429 = arith.index_cast %scan3A_35 : i32 to index
        %swap3A_430 = arith.constant 384 : index
        %swap3A_431 = tpu.vector_load %arg7[%swap3A_429, %swap3A_430] {strides = array<i32>} : memref<16x1024xf32, #tpu.memory_space<vmem>>, vector<1x16xf32>,
        %swap3A_432 = vector.shape_cast %swap3A_431 : vector<1x16xf32> to vector<16xf32>
        %swap3A_433 = vector.shape_cast %add3A_428 : vector<16xf32> to vector<1x16xf32>
        tpu.vector_store %arg7[%swap3A_429, %swap3A_430], %swap3A_433 {strides = array<i32>} : memref<16x1024xf32, #tpu.memory_space<vmem>>, vector<1x16xf32>,
        %get3A_434 = arith.index_cast %scan3A_35 : i32 to index
        %get3A_435 = arith.constant 400 : index
        %get3A_436 = tpu.vector_load %arg7[%get3A_434, %get3A_435] {strides = array<i32>} : memref<16x1024xf32, #tpu.memory_space<vmem>>, vector<1x16xf32>,
        %get3A_437 = vector.shape_cast %get3A_436 : vector<1x16xf32> to vector<16xf32>
        %mul3A_438 = vector.broadcast %scan3A_4 : f32 to vector<16xf32>
        %mul3A_439 = arith.mulf %get3A_437, %mul3A_438 : vector<16xf32>
        %get3A_440 = arith.index_cast %scan3A_35 : i32 to index
        %get3A_441 = arith.constant 400 : index
        %get3A_442 = tpu.vector_load %arg8[%get3A_440, %get3A_441] {strides = array<i32>} : memref<16x1024xf32, #tpu.memory_space<vmem>>, vector<1x16xf32>,
        %get3A_443 = vector.shape_cast %get3A_442 : vector<1x16xf32> to vector<16xf32>
        %add3A_444 = arith.addf %mul3A_439, %get3A_443 : vector<16xf32>
        %swap3A_445 = arith.index_cast %scan3A_35 : i32 to index
        %swap3A_446 = arith.constant 400 : index
        %swap3A_447 = tpu.vector_load %arg7[%swap3A_445, %swap3A_446] {strides = array<i32>} : memref<16x1024xf32, #tpu.memory_space<vmem>>, vector<1x16xf32>,
        %swap3A_448 = vector.shape_cast %swap3A_447 : vector<1x16xf32> to vector<16xf32>
        %swap3A_449 = vector.shape_cast %add3A_444 : vector<16xf32> to vector<1x16xf32>
        tpu.vector_store %arg7[%swap3A_445, %swap3A_446], %swap3A_449 {strides = array<i32>} : memref<16x1024xf32, #tpu.memory_space<vmem>>, vector<1x16xf32>,
        %get3A_450 = arith.index_cast %scan3A_35 : i32 to index
        %get3A_451 = arith.constant 416 : index
        %get3A_452 = tpu.vector_load %arg7[%get3A_450, %get3A_451] {strides = array<i32>} : memref<16x1024xf32, #tpu.memory_space<vmem>>, vector<1x16xf32>,
        %get3A_453 = vector.shape_cast %get3A_452 : vector<1x16xf32> to vector<16xf32>
        %mul3A_454 = vector.broadcast %scan3A_4 : f32 to vector<16xf32>
        %mul3A_455 = arith.mulf %get3A_453, %mul3A_454 : vector<16xf32>
        %get3A_456 = arith.index_cast %scan3A_35 : i32 to index
        %get3A_457 = arith.constant 416 : index
        %get3A_458 = tpu.vector_load %arg8[%get3A_456, %get3A_457] {strides = array<i32>} : memref<16x1024xf32, #tpu.memory_space<vmem>>, vector<1x16xf32>,
        %get3A_459 = vector.shape_cast %get3A_458 : vector<1x16xf32> to vector<16xf32>
        %add3A_460 = arith.addf %mul3A_455, %get3A_459 : vector<16xf32>
        %swap3A_461 = arith.index_cast %scan3A_35 : i32 to index
        %swap3A_462 = arith.constant 416 : index
        %swap3A_463 = tpu.vector_load %arg7[%swap3A_461, %swap3A_462] {strides = array<i32>} : memref<16x1024xf32, #tpu.memory_space<vmem>>, vector<1x16xf32>,
        %swap3A_464 = vector.shape_cast %swap3A_463 : vector<1x16xf32> to vector<16xf32>
        %swap3A_465 = vector.shape_cast %add3A_460 : vector<16xf32> to vector<1x16xf32>
        tpu.vector_store %arg7[%swap3A_461, %swap3A_462], %swap3A_465 {strides = array<i32>} : memref<16x1024xf32, #tpu.memory_space<vmem>>, vector<1x16xf32>,
        %get3A_466 = arith.index_cast %scan3A_35 : i32 to index
        %get3A_467 = arith.constant 432 : index
        %get3A_468 = tpu.vector_load %arg7[%get3A_466, %get3A_467] {strides = array<i32>} : memref<16x1024xf32, #tpu.memory_space<vmem>>, vector<1x16xf32>,
        %get3A_469 = vector.shape_cast %get3A_468 : vector<1x16xf32> to vector<16xf32>
        %mul3A_470 = vector.broadcast %scan3A_4 : f32 to vector<16xf32>
        %mul3A_471 = arith.mulf %get3A_469, %mul3A_470 : vector<16xf32>
        %get3A_472 = arith.index_cast %scan3A_35 : i32 to index
        %get3A_473 = arith.constant 432 : index
        %get3A_474 = tpu.vector_load %arg8[%get3A_472, %get3A_473] {strides = array<i32>} : memref<16x1024xf32, #tpu.memory_space<vmem>>, vector<1x16xf32>,
        %get3A_475 = vector.shape_cast %get3A_474 : vector<1x16xf32> to vector<16xf32>
        %add3A_476 = arith.addf %mul3A_471, %get3A_475 : vector<16xf32>
        %swap3A_477 = arith.index_cast %scan3A_35 : i32 to index
        %swap3A_478 = arith.constant 432 : index
        %swap3A_479 = tpu.vector_load %arg7[%swap3A_477, %swap3A_478] {strides = array<i32>} : memref<16x1024xf32, #tpu.memory_space<vmem>>, vector<1x16xf32>,
        %swap3A_480 = vector.shape_cast %swap3A_479 : vector<1x16xf32> to vector<16xf32>
        %swap3A_481 = vector.shape_cast %add3A_476 : vector<16xf32> to vector<1x16xf32>
        tpu.vector_store %arg7[%swap3A_477, %swap3A_478], %swap3A_481 {strides = array<i32>} : memref<16x1024xf32, #tpu.memory_space<vmem>>, vector<1x16xf32>,
        %get3A_482 = arith.index_cast %scan3A_35 : i32 to index
        %get3A_483 = arith.constant 448 : index
        %get3A_484 = tpu.vector_load %arg7[%get3A_482, %get3A_483] {strides = array<i32>} : memref<16x1024xf32, #tpu.memory_space<vmem>>, vector<1x16xf32>,
        %get3A_485 = vector.shape_cast %get3A_484 : vector<1x16xf32> to vector<16xf32>
        %mul3A_486 = vector.broadcast %scan3A_4 : f32 to vector<16xf32>
        %mul3A_487 = arith.mulf %get3A_485, %mul3A_486 : vector<16xf32>
        %get3A_488 = arith.index_cast %scan3A_35 : i32 to index
        %get3A_489 = arith.constant 448 : index
        %get3A_490 = tpu.vector_load %arg8[%get3A_488, %get3A_489] {strides = array<i32>} : memref<16x1024xf32, #tpu.memory_space<vmem>>, vector<1x16xf32>,
        %get3A_491 = vector.shape_cast %get3A_490 : vector<1x16xf32> to vector<16xf32>
        %add3A_492 = arith.addf %mul3A_487, %get3A_491 : vector<16xf32>
        %swap3A_493 = arith.index_cast %scan3A_35 : i32 to index
        %swap3A_494 = arith.constant 448 : index
        %swap3A_495 = tpu.vector_load %arg7[%swap3A_493, %swap3A_494] {strides = array<i32>} : memref<16x1024xf32, #tpu.memory_space<vmem>>, vector<1x16xf32>,
        %swap3A_496 = vector.shape_cast %swap3A_495 : vector<1x16xf32> to vector<16xf32>
        %swap3A_497 = vector.shape_cast %add3A_492 : vector<16xf32> to vector<1x16xf32>
        tpu.vector_store %arg7[%swap3A_493, %swap3A_494], %swap3A_497 {strides = array<i32>} : memref<16x1024xf32, #tpu.memory_space<vmem>>, vector<1x16xf32>,
        %get3A_498 = arith.index_cast %scan3A_35 : i32 to index
        %get3A_499 = arith.constant 464 : index
        %get3A_500 = tpu.vector_load %arg7[%get3A_498, %get3A_499] {strides = array<i32>} : memref<16x1024xf32, #tpu.memory_space<vmem>>, vector<1x16xf32>,
        %get3A_501 = vector.shape_cast %get3A_500 : vector<1x16xf32> to vector<16xf32>
        %mul3A_502 = vector.broadcast %scan3A_4 : f32 to vector<16xf32>
        %mul3A_503 = arith.mulf %get3A_501, %mul3A_502 : vector<16xf32>
        %get3A_504 = arith.index_cast %scan3A_35 : i32 to index
        %get3A_505 = arith.constant 464 : index
        %get3A_506 = tpu.vector_load %arg8[%get3A_504, %get3A_505] {strides = array<i32>} : memref<16x1024xf32, #tpu.memory_space<vmem>>, vector<1x16xf32>,
        %get3A_507 = vector.shape_cast %get3A_506 : vector<1x16xf32> to vector<16xf32>
        %add3A_508 = arith.addf %mul3A_503, %get3A_507 : vector<16xf32>
        %swap3A_509 = arith.index_cast %scan3A_35 : i32 to index
        %swap3A_510 = arith.constant 464 : index
        %swap3A_511 = tpu.vector_load %arg7[%swap3A_509, %swap3A_510] {strides = array<i32>} : memref<16x1024xf32, #tpu.memory_space<vmem>>, vector<1x16xf32>,
        %swap3A_512 = vector.shape_cast %swap3A_511 : vector<1x16xf32> to vector<16xf32>
        %swap3A_513 = vector.shape_cast %add3A_508 : vector<16xf32> to vector<1x16xf32>
        tpu.vector_store %arg7[%swap3A_509, %swap3A_510], %swap3A_513 {strides = array<i32>} : memref<16x1024xf32, #tpu.memory_space<vmem>>, vector<1x16xf32>,
        %get3A_514 = arith.index_cast %scan3A_35 : i32 to index
        %get3A_515 = arith.constant 480 : index
        %get3A_516 = tpu.vector_load %arg7[%get3A_514, %get3A_515] {strides = array<i32>} : memref<16x1024xf32, #tpu.memory_space<vmem>>, vector<1x16xf32>,
        %get3A_517 = vector.shape_cast %get3A_516 : vector<1x16xf32> to vector<16xf32>
        %mul3A_518 = vector.broadcast %scan3A_4 : f32 to vector<16xf32>
        %mul3A_519 = arith.mulf %get3A_517, %mul3A_518 : vector<16xf32>
        %get3A_520 = arith.index_cast %scan3A_35 : i32 to index
        %get3A_521 = arith.constant 480 : index
        %get3A_522 = tpu.vector_load %arg8[%get3A_520, %get3A_521] {strides = array<i32>} : memref<16x1024xf32, #tpu.memory_space<vmem>>, vector<1x16xf32>,
        %get3A_523 = vector.shape_cast %get3A_522 : vector<1x16xf32> to vector<16xf32>
        %add3A_524 = arith.addf %mul3A_519, %get3A_523 : vector<16xf32>
        %swap3A_525 = arith.index_cast %scan3A_35 : i32 to index
        %swap3A_526 = arith.constant 480 : index
        %swap3A_527 = tpu.vector_load %arg7[%swap3A_525, %swap3A_526] {strides = array<i32>} : memref<16x1024xf32, #tpu.memory_space<vmem>>, vector<1x16xf32>,
        %swap3A_528 = vector.shape_cast %swap3A_527 : vector<1x16xf32> to vector<16xf32>
        %swap3A_529 = vector.shape_cast %add3A_524 : vector<16xf32> to vector<1x16xf32>
        tpu.vector_store %arg7[%swap3A_525, %swap3A_526], %swap3A_529 {strides = array<i32>} : memref<16x1024xf32, #tpu.memory_space<vmem>>, vector<1x16xf32>,
        %get3A_530 = arith.index_cast %scan3A_35 : i32 to index
        %get3A_531 = arith.constant 496 : index
        %get3A_532 = tpu.vector_load %arg7[%get3A_530, %get3A_531] {strides = array<i32>} : memref<16x1024xf32, #tpu.memory_space<vmem>>, vector<1x16xf32>,
        %get3A_533 = vector.shape_cast %get3A_532 : vector<1x16xf32> to vector<16xf32>
        %mul3A_534 = vector.broadcast %scan3A_4 : f32 to vector<16xf32>
        %mul3A_535 = arith.mulf %get3A_533, %mul3A_534 : vector<16xf32>
        %get3A_536 = arith.index_cast %scan3A_35 : i32 to index
        %get3A_537 = arith.constant 496 : index
        %get3A_538 = tpu.vector_load %arg8[%get3A_536, %get3A_537] {strides = array<i32>} : memref<16x1024xf32, #tpu.memory_space<vmem>>, vector<1x16xf32>,
        %get3A_539 = vector.shape_cast %get3A_538 : vector<1x16xf32> to vector<16xf32>
        %add3A_540 = arith.addf %mul3A_535, %get3A_539 : vector<16xf32>
        %swap3A_541 = arith.index_cast %scan3A_35 : i32 to index
        %swap3A_542 = arith.constant 496 : index
        %swap3A_543 = tpu.vector_load %arg7[%swap3A_541, %swap3A_542] {strides = array<i32>} : memref<16x1024xf32, #tpu.memory_space<vmem>>, vector<1x16xf32>,
        %swap3A_544 = vector.shape_cast %swap3A_543 : vector<1x16xf32> to vector<16xf32>
        %swap3A_545 = vector.shape_cast %add3A_540 : vector<16xf32> to vector<1x16xf32>
        tpu.vector_store %arg7[%swap3A_541, %swap3A_542], %swap3A_545 {strides = array<i32>} : memref<16x1024xf32, #tpu.memory_space<vmem>>, vector<1x16xf32>,
        %get3A_546 = arith.index_cast %scan3A_35 : i32 to index
        %get3A_547 = arith.constant 512 : index
        %get3A_548 = tpu.vector_load %arg7[%get3A_546, %get3A_547] {strides = array<i32>} : memref<16x1024xf32, #tpu.memory_space<vmem>>, vector<1x16xf32>,
        %get3A_549 = vector.shape_cast %get3A_548 : vector<1x16xf32> to vector<16xf32>
        %mul3A_550 = vector.broadcast %scan3A_4 : f32 to vector<16xf32>
        %mul3A_551 = arith.mulf %get3A_549, %mul3A_550 : vector<16xf32>
        %get3A_552 = arith.index_cast %scan3A_35 : i32 to index
        %get3A_553 = arith.constant 512 : index
        %get3A_554 = tpu.vector_load %arg8[%get3A_552, %get3A_553] {strides = array<i32>} : memref<16x1024xf32, #tpu.memory_space<vmem>>, vector<1x16xf32>,
        %get3A_555 = vector.shape_cast %get3A_554 : vector<1x16xf32> to vector<16xf32>
        %add3A_556 = arith.addf %mul3A_551, %get3A_555 : vector<16xf32>
        %swap3A_557 = arith.index_cast %scan3A_35 : i32 to index
        %swap3A_558 = arith.constant 512 : index
        %swap3A_559 = tpu.vector_load %arg7[%swap3A_557, %swap3A_558] {strides = array<i32>} : memref<16x1024xf32, #tpu.memory_space<vmem>>, vector<1x16xf32>,
        %swap3A_560 = vector.shape_cast %swap3A_559 : vector<1x16xf32> to vector<16xf32>
        %swap3A_561 = vector.shape_cast %add3A_556 : vector<16xf32> to vector<1x16xf32>
        tpu.vector_store %arg7[%swap3A_557, %swap3A_558], %swap3A_561 {strides = array<i32>} : memref<16x1024xf32, #tpu.memory_space<vmem>>, vector<1x16xf32>,
        %get3A_562 = arith.index_cast %scan3A_35 : i32 to index
        %get3A_563 = arith.constant 528 : index
        %get3A_564 = tpu.vector_load %arg7[%get3A_562, %get3A_563] {strides = array<i32>} : memref<16x1024xf32, #tpu.memory_space<vmem>>, vector<1x16xf32>,
        %get3A_565 = vector.shape_cast %get3A_564 : vector<1x16xf32> to vector<16xf32>
        %mul3A_566 = vector.broadcast %scan3A_4 : f32 to vector<16xf32>
        %mul3A_567 = arith.mulf %get3A_565, %mul3A_566 : vector<16xf32>
        %get3A_568 = arith.index_cast %scan3A_35 : i32 to index
        %get3A_569 = arith.constant 528 : index
        %get3A_570 = tpu.vector_load %arg8[%get3A_568, %get3A_569] {strides = array<i32>} : memref<16x1024xf32, #tpu.memory_space<vmem>>, vector<1x16xf32>,
        %get3A_571 = vector.shape_cast %get3A_570 : vector<1x16xf32> to vector<16xf32>
        %add3A_572 = arith.addf %mul3A_567, %get3A_571 : vector<16xf32>
        %swap3A_573 = arith.index_cast %scan3A_35 : i32 to index
        %swap3A_574 = arith.constant 528 : index
        %swap3A_575 = tpu.vector_load %arg7[%swap3A_573, %swap3A_574] {strides = array<i32>} : memref<16x1024xf32, #tpu.memory_space<vmem>>, vector<1x16xf32>,
        %swap3A_576 = vector.shape_cast %swap3A_575 : vector<1x16xf32> to vector<16xf32>
        %swap3A_577 = vector.shape_cast %add3A_572 : vector<16xf32> to vector<1x16xf32>
        tpu.vector_store %arg7[%swap3A_573, %swap3A_574], %swap3A_577 {strides = array<i32>} : memref<16x1024xf32, #tpu.memory_space<vmem>>, vector<1x16xf32>,
        %get3A_578 = arith.index_cast %scan3A_35 : i32 to index
        %get3A_579 = arith.constant 544 : index
        %get3A_580 = tpu.vector_load %arg7[%get3A_578, %get3A_579] {strides = array<i32>} : memref<16x1024xf32, #tpu.memory_space<vmem>>, vector<1x16xf32>,
        %get3A_581 = vector.shape_cast %get3A_580 : vector<1x16xf32> to vector<16xf32>
        %mul3A_582 = vector.broadcast %scan3A_4 : f32 to vector<16xf32>
        %mul3A_583 = arith.mulf %get3A_581, %mul3A_582 : vector<16xf32>
        %get3A_584 = arith.index_cast %scan3A_35 : i32 to index
        %get3A_585 = arith.constant 544 : index
        %get3A_586 = tpu.vector_load %arg8[%get3A_584, %get3A_585] {strides = array<i32>} : memref<16x1024xf32, #tpu.memory_space<vmem>>, vector<1x16xf32>,
        %get3A_587 = vector.shape_cast %get3A_586 : vector<1x16xf32> to vector<16xf32>
        %add3A_588 = arith.addf %mul3A_583, %get3A_587 : vector<16xf32>
        %swap3A_589 = arith.index_cast %scan3A_35 : i32 to index
        %swap3A_590 = arith.constant 544 : index
        %swap3A_591 = tpu.vector_load %arg7[%swap3A_589, %swap3A_590] {strides = array<i32>} : memref<16x1024xf32, #tpu.memory_space<vmem>>, vector<1x16xf32>,
        %swap3A_592 = vector.shape_cast %swap3A_591 : vector<1x16xf32> to vector<16xf32>
        %swap3A_593 = vector.shape_cast %add3A_588 : vector<16xf32> to vector<1x16xf32>
        tpu.vector_store %arg7[%swap3A_589, %swap3A_590], %swap3A_593 {strides = array<i32>} : memref<16x1024xf32, #tpu.memory_space<vmem>>, vector<1x16xf32>,
        %get3A_594 = arith.index_cast %scan3A_35 : i32 to index
        %get3A_595 = arith.constant 560 : index
        %get3A_596 = tpu.vector_load %arg7[%get3A_594, %get3A_595] {strides = array<i32>} : memref<16x1024xf32, #tpu.memory_space<vmem>>, vector<1x16xf32>,
        %get3A_597 = vector.shape_cast %get3A_596 : vector<1x16xf32> to vector<16xf32>
        %mul3A_598 = vector.broadcast %scan3A_4 : f32 to vector<16xf32>
        %mul3A_599 = arith.mulf %get3A_597, %mul3A_598 : vector<16xf32>
        %get3A_600 = arith.index_cast %scan3A_35 : i32 to index
        %get3A_601 = arith.constant 560 : index
        %get3A_602 = tpu.vector_load %arg8[%get3A_600, %get3A_601] {strides = array<i32>} : memref<16x1024xf32, #tpu.memory_space<vmem>>, vector<1x16xf32>,
        %get3A_603 = vector.shape_cast %get3A_602 : vector<1x16xf32> to vector<16xf32>
        %add3A_604 = arith.addf %mul3A_599, %get3A_603 : vector<16xf32>
        %swap3A_605 = arith.index_cast %scan3A_35 : i32 to index
        %swap3A_606 = arith.constant 560 : index
        %swap3A_607 = tpu.vector_load %arg7[%swap3A_605, %swap3A_606] {strides = array<i32>} : memref<16x1024xf32, #tpu.memory_space<vmem>>, vector<1x16xf32>,
        %swap3A_608 = vector.shape_cast %swap3A_607 : vector<1x16xf32> to vector<16xf32>
        %swap3A_609 = vector.shape_cast %add3A_604 : vector<16xf32> to vector<1x16xf32>
        tpu.vector_store %arg7[%swap3A_605, %swap3A_606], %swap3A_609 {strides = array<i32>} : memref<16x1024xf32, #tpu.memory_space<vmem>>, vector<1x16xf32>,
        %get3A_610 = arith.index_cast %scan3A_35 : i32 to index
        %get3A_611 = arith.constant 576 : index
        %get3A_612 = tpu.vector_load %arg7[%get3A_610, %get3A_611] {strides = array<i32>} : memref<16x1024xf32, #tpu.memory_space<vmem>>, vector<1x16xf32>,
        %get3A_613 = vector.shape_cast %get3A_612 : vector<1x16xf32> to vector<16xf32>
        %mul3A_614 = vector.broadcast %scan3A_4 : f32 to vector<16xf32>
        %mul3A_615 = arith.mulf %get3A_613, %mul3A_614 : vector<16xf32>
        %get3A_616 = arith.index_cast %scan3A_35 : i32 to index
        %get3A_617 = arith.constant 576 : index
        %get3A_618 = tpu.vector_load %arg8[%get3A_616, %get3A_617] {strides = array<i32>} : memref<16x1024xf32, #tpu.memory_space<vmem>>, vector<1x16xf32>,
        %get3A_619 = vector.shape_cast %get3A_618 : vector<1x16xf32> to vector<16xf32>
        %add3A_620 = arith.addf %mul3A_615, %get3A_619 : vector<16xf32>
        %swap3A_621 = arith.index_cast %scan3A_35 : i32 to index
        %swap3A_622 = arith.constant 576 : index
        %swap3A_623 = tpu.vector_load %arg7[%swap3A_621, %swap3A_622] {strides = array<i32>} : memref<16x1024xf32, #tpu.memory_space<vmem>>, vector<1x16xf32>,
        %swap3A_624 = vector.shape_cast %swap3A_623 : vector<1x16xf32> to vector<16xf32>
        %swap3A_625 = vector.shape_cast %add3A_620 : vector<16xf32> to vector<1x16xf32>
        tpu.vector_store %arg7[%swap3A_621, %swap3A_622], %swap3A_625 {strides = array<i32>} : memref<16x1024xf32, #tpu.memory_space<vmem>>, vector<1x16xf32>,
        %get3A_626 = arith.index_cast %scan3A_35 : i32 to index
        %get3A_627 = arith.constant 592 : index
        %get3A_628 = tpu.vector_load %arg7[%get3A_626, %get3A_627] {strides = array<i32>} : memref<16x1024xf32, #tpu.memory_space<vmem>>, vector<1x16xf32>,
        %get3A_629 = vector.shape_cast %get3A_628 : vector<1x16xf32> to vector<16xf32>
        %mul3A_630 = vector.broadcast %scan3A_4 : f32 to vector<16xf32>
        %mul3A_631 = arith.mulf %get3A_629, %mul3A_630 : vector<16xf32>
        %get3A_632 = arith.index_cast %scan3A_35 : i32 to index
        %get3A_633 = arith.constant 592 : index
        %get3A_634 = tpu.vector_load %arg8[%get3A_632, %get3A_633] {strides = array<i32>} : memref<16x1024xf32, #tpu.memory_space<vmem>>, vector<1x16xf32>,
        %get3A_635 = vector.shape_cast %get3A_634 : vector<1x16xf32> to vector<16xf32>
        %add3A_636 = arith.addf %mul3A_631, %get3A_635 : vector<16xf32>
        %swap3A_637 = arith.index_cast %scan3A_35 : i32 to index
        %swap3A_638 = arith.constant 592 : index
        %swap3A_639 = tpu.vector_load %arg7[%swap3A_637, %swap3A_638] {strides = array<i32>} : memref<16x1024xf32, #tpu.memory_space<vmem>>, vector<1x16xf32>,
        %swap3A_640 = vector.shape_cast %swap3A_639 : vector<1x16xf32> to vector<16xf32>
        %swap3A_641 = vector.shape_cast %add3A_636 : vector<16xf32> to vector<1x16xf32>
        tpu.vector_store %arg7[%swap3A_637, %swap3A_638], %swap3A_641 {strides = array<i32>} : memref<16x1024xf32, #tpu.memory_space<vmem>>, vector<1x16xf32>,
        %get3A_642 = arith.index_cast %scan3A_35 : i32 to index
        %get3A_643 = arith.constant 608 : index
        %get3A_644 = tpu.vector_load %arg7[%get3A_642, %get3A_643] {strides = array<i32>} : memref<16x1024xf32, #tpu.memory_space<vmem>>, vector<1x16xf32>,
        %get3A_645 = vector.shape_cast %get3A_644 : vector<1x16xf32> to vector<16xf32>
        %mul3A_646 = vector.broadcast %scan3A_4 : f32 to vector<16xf32>
        %mul3A_647 = arith.mulf %get3A_645, %mul3A_646 : vector<16xf32>
        %get3A_648 = arith.index_cast %scan3A_35 : i32 to index
        %get3A_649 = arith.constant 608 : index
        %get3A_650 = tpu.vector_load %arg8[%get3A_648, %get3A_649] {strides = array<i32>} : memref<16x1024xf32, #tpu.memory_space<vmem>>, vector<1x16xf32>,
        %get3A_651 = vector.shape_cast %get3A_650 : vector<1x16xf32> to vector<16xf32>
        %add3A_652 = arith.addf %mul3A_647, %get3A_651 : vector<16xf32>
        %swap3A_653 = arith.index_cast %scan3A_35 : i32 to index
        %swap3A_654 = arith.constant 608 : index
        %swap3A_655 = tpu.vector_load %arg7[%swap3A_653, %swap3A_654] {strides = array<i32>} : memref<16x1024xf32, #tpu.memory_space<vmem>>, vector<1x16xf32>,
        %swap3A_656 = vector.shape_cast %swap3A_655 : vector<1x16xf32> to vector<16xf32>
        %swap3A_657 = vector.shape_cast %add3A_652 : vector<16xf32> to vector<1x16xf32>
        tpu.vector_store %arg7[%swap3A_653, %swap3A_654], %swap3A_657 {strides = array<i32>} : memref<16x1024xf32, #tpu.memory_space<vmem>>, vector<1x16xf32>,
        %get3A_658 = arith.index_cast %scan3A_35 : i32 to index
        %get3A_659 = arith.constant 624 : index
        %get3A_660 = tpu.vector_load %arg7[%get3A_658, %get3A_659] {strides = array<i32>} : memref<16x1024xf32, #tpu.memory_space<vmem>>, vector<1x16xf32>,
        %get3A_661 = vector.shape_cast %get3A_660 : vector<1x16xf32> to vector<16xf32>
        %mul3A_662 = vector.broadcast %scan3A_4 : f32 to vector<16xf32>
        %mul3A_663 = arith.mulf %get3A_661, %mul3A_662 : vector<16xf32>
        %get3A_664 = arith.index_cast %scan3A_35 : i32 to index
        %get3A_665 = arith.constant 624 : index
        %get3A_666 = tpu.vector_load %arg8[%get3A_664, %get3A_665] {strides = array<i32>} : memref<16x1024xf32, #tpu.memory_space<vmem>>, vector<1x16xf32>,
        %get3A_667 = vector.shape_cast %get3A_666 : vector<1x16xf32> to vector<16xf32>
        %add3A_668 = arith.addf %mul3A_663, %get3A_667 : vector<16xf32>
        %swap3A_669 = arith.index_cast %scan3A_35 : i32 to index
        %swap3A_670 = arith.constant 624 : index
        %swap3A_671 = tpu.vector_load %arg7[%swap3A_669, %swap3A_670] {strides = array<i32>} : memref<16x1024xf32, #tpu.memory_space<vmem>>, vector<1x16xf32>,
        %swap3A_672 = vector.shape_cast %swap3A_671 : vector<1x16xf32> to vector<16xf32>
        %swap3A_673 = vector.shape_cast %add3A_668 : vector<16xf32> to vector<1x16xf32>
        tpu.vector_store %arg7[%swap3A_669, %swap3A_670], %swap3A_673 {strides = array<i32>} : memref<16x1024xf32, #tpu.memory_space<vmem>>, vector<1x16xf32>,
        %get3A_674 = arith.index_cast %scan3A_35 : i32 to index
        %get3A_675 = arith.constant 640 : index
        %get3A_676 = tpu.vector_load %arg7[%get3A_674, %get3A_675] {strides = array<i32>} : memref<16x1024xf32, #tpu.memory_space<vmem>>, vector<1x16xf32>,
        %get3A_677 = vector.shape_cast %get3A_676 : vector<1x16xf32> to vector<16xf32>
        %mul3A_678 = vector.broadcast %scan3A_4 : f32 to vector<16xf32>
        %mul3A_679 = arith.mulf %get3A_677, %mul3A_678 : vector<16xf32>
        %get3A_680 = arith.index_cast %scan3A_35 : i32 to index
        %get3A_681 = arith.constant 640 : index
        %get3A_682 = tpu.vector_load %arg8[%get3A_680, %get3A_681] {strides = array<i32>} : memref<16x1024xf32, #tpu.memory_space<vmem>>, vector<1x16xf32>,
        %get3A_683 = vector.shape_cast %get3A_682 : vector<1x16xf32> to vector<16xf32>
        %add3A_684 = arith.addf %mul3A_679, %get3A_683 : vector<16xf32>
        %swap3A_685 = arith.index_cast %scan3A_35 : i32 to index
        %swap3A_686 = arith.constant 640 : index
        %swap3A_687 = tpu.vector_load %arg7[%swap3A_685, %swap3A_686] {strides = array<i32>} : memref<16x1024xf32, #tpu.memory_space<vmem>>, vector<1x16xf32>,
        %swap3A_688 = vector.shape_cast %swap3A_687 : vector<1x16xf32> to vector<16xf32>
        %swap3A_689 = vector.shape_cast %add3A_684 : vector<16xf32> to vector<1x16xf32>
        tpu.vector_store %arg7[%swap3A_685, %swap3A_686], %swap3A_689 {strides = array<i32>} : memref<16x1024xf32, #tpu.memory_space<vmem>>, vector<1x16xf32>,
        %get3A_690 = arith.index_cast %scan3A_35 : i32 to index
        %get3A_691 = arith.constant 656 : index
        %get3A_692 = tpu.vector_load %arg7[%get3A_690, %get3A_691] {strides = array<i32>} : memref<16x1024xf32, #tpu.memory_space<vmem>>, vector<1x16xf32>,
        %get3A_693 = vector.shape_cast %get3A_692 : vector<1x16xf32> to vector<16xf32>
        %mul3A_694 = vector.broadcast %scan3A_4 : f32 to vector<16xf32>
        %mul3A_695 = arith.mulf %get3A_693, %mul3A_694 : vector<16xf32>
        %get3A_696 = arith.index_cast %scan3A_35 : i32 to index
        %get3A_697 = arith.constant 656 : index
        %get3A_698 = tpu.vector_load %arg8[%get3A_696, %get3A_697] {strides = array<i32>} : memref<16x1024xf32, #tpu.memory_space<vmem>>, vector<1x16xf32>,
        %get3A_699 = vector.shape_cast %get3A_698 : vector<1x16xf32> to vector<16xf32>
        %add3A_700 = arith.addf %mul3A_695, %get3A_699 : vector<16xf32>
        %swap3A_701 = arith.index_cast %scan3A_35 : i32 to index
        %swap3A_702 = arith.constant 656 : index
        %swap3A_703 = tpu.vector_load %arg7[%swap3A_701, %swap3A_702] {strides = array<i32>} : memref<16x1024xf32, #tpu.memory_space<vmem>>, vector<1x16xf32>,
        %swap3A_704 = vector.shape_cast %swap3A_703 : vector<1x16xf32> to vector<16xf32>
        %swap3A_705 = vector.shape_cast %add3A_700 : vector<16xf32> to vector<1x16xf32>
        tpu.vector_store %arg7[%swap3A_701, %swap3A_702], %swap3A_705 {strides = array<i32>} : memref<16x1024xf32, #tpu.memory_space<vmem>>, vector<1x16xf32>,
        %get3A_706 = arith.index_cast %scan3A_35 : i32 to index
        %get3A_707 = arith.constant 672 : index
        %get3A_708 = tpu.vector_load %arg7[%get3A_706, %get3A_707] {strides = array<i32>} : memref<16x1024xf32, #tpu.memory_space<vmem>>, vector<1x16xf32>,
        %get3A_709 = vector.shape_cast %get3A_708 : vector<1x16xf32> to vector<16xf32>
        %mul3A_710 = vector.broadcast %scan3A_4 : f32 to vector<16xf32>
        %mul3A_711 = arith.mulf %get3A_709, %mul3A_710 : vector<16xf32>
        %get3A_712 = arith.index_cast %scan3A_35 : i32 to index
        %get3A_713 = arith.constant 672 : index
        %get3A_714 = tpu.vector_load %arg8[%get3A_712, %get3A_713] {strides = array<i32>} : memref<16x1024xf32, #tpu.memory_space<vmem>>, vector<1x16xf32>,
        %get3A_715 = vector.shape_cast %get3A_714 : vector<1x16xf32> to vector<16xf32>
        %add3A_716 = arith.addf %mul3A_711, %get3A_715 : vector<16xf32>
        %swap3A_717 = arith.index_cast %scan3A_35 : i32 to index
        %swap3A_718 = arith.constant 672 : index
        %swap3A_719 = tpu.vector_load %arg7[%swap3A_717, %swap3A_718] {strides = array<i32>} : memref<16x1024xf32, #tpu.memory_space<vmem>>, vector<1x16xf32>,
        %swap3A_720 = vector.shape_cast %swap3A_719 : vector<1x16xf32> to vector<16xf32>
        %swap3A_721 = vector.shape_cast %add3A_716 : vector<16xf32> to vector<1x16xf32>
        tpu.vector_store %arg7[%swap3A_717, %swap3A_718], %swap3A_721 {strides = array<i32>} : memref<16x1024xf32, #tpu.memory_space<vmem>>, vector<1x16xf32>,
        %get3A_722 = arith.index_cast %scan3A_35 : i32 to index
        %get3A_723 = arith.constant 688 : index
        %get3A_724 = tpu.vector_load %arg7[%get3A_722, %get3A_723] {strides = array<i32>} : memref<16x1024xf32, #tpu.memory_space<vmem>>, vector<1x16xf32>,
        %get3A_725 = vector.shape_cast %get3A_724 : vector<1x16xf32> to vector<16xf32>
        %mul3A_726 = vector.broadcast %scan3A_4 : f32 to vector<16xf32>
        %mul3A_727 = arith.mulf %get3A_725, %mul3A_726 : vector<16xf32>
        %get3A_728 = arith.index_cast %scan3A_35 : i32 to index
        %get3A_729 = arith.constant 688 : index
        %get3A_730 = tpu.vector_load %arg8[%get3A_728, %get3A_729] {strides = array<i32>} : memref<16x1024xf32, #tpu.memory_space<vmem>>, vector<1x16xf32>,
        %get3A_731 = vector.shape_cast %get3A_730 : vector<1x16xf32> to vector<16xf32>
        %add3A_732 = arith.addf %mul3A_727, %get3A_731 : vector<16xf32>
        %swap3A_733 = arith.index_cast %scan3A_35 : i32 to index
        %swap3A_734 = arith.constant 688 : index
        %swap3A_735 = tpu.vector_load %arg7[%swap3A_733, %swap3A_734] {strides = array<i32>} : memref<16x1024xf32, #tpu.memory_space<vmem>>, vector<1x16xf32>,
        %swap3A_736 = vector.shape_cast %swap3A_735 : vector<1x16xf32> to vector<16xf32>
        %swap3A_737 = vector.shape_cast %add3A_732 : vector<16xf32> to vector<1x16xf32>
        tpu.vector_store %arg7[%swap3A_733, %swap3A_734], %swap3A_737 {strides = array<i32>} : memref<16x1024xf32, #tpu.memory_space<vmem>>, vector<1x16xf32>,
        %get3A_738 = arith.index_cast %scan3A_35 : i32 to index
        %get3A_739 = arith.constant 704 : index
        %get3A_740 = tpu.vector_load %arg7[%get3A_738, %get3A_739] {strides = array<i32>} : memref<16x1024xf32, #tpu.memory_space<vmem>>, vector<1x16xf32>,
        %get3A_741 = vector.shape_cast %get3A_740 : vector<1x16xf32> to vector<16xf32>
        %mul3A_742 = vector.broadcast %scan3A_4 : f32 to vector<16xf32>
        %mul3A_743 = arith.mulf %get3A_741, %mul3A_742 : vector<16xf32>
        %get3A_744 = arith.index_cast %scan3A_35 : i32 to index
        %get3A_745 = arith.constant 704 : index
        %get3A_746 = tpu.vector_load %arg8[%get3A_744, %get3A_745] {strides = array<i32>} : memref<16x1024xf32, #tpu.memory_space<vmem>>, vector<1x16xf32>,
        %get3A_747 = vector.shape_cast %get3A_746 : vector<1x16xf32> to vector<16xf32>
        %add3A_748 = arith.addf %mul3A_743, %get3A_747 : vector<16xf32>
        %swap3A_749 = arith.index_cast %scan3A_35 : i32 to index
        %swap3A_750 = arith.constant 704 : index
        %swap3A_751 = tpu.vector_load %arg7[%swap3A_749, %swap3A_750] {strides = array<i32>} : memref<16x1024xf32, #tpu.memory_space<vmem>>, vector<1x16xf32>,
        %swap3A_752 = vector.shape_cast %swap3A_751 : vector<1x16xf32> to vector<16xf32>
        %swap3A_753 = vector.shape_cast %add3A_748 : vector<16xf32> to vector<1x16xf32>
        tpu.vector_store %arg7[%swap3A_749, %swap3A_750], %swap3A_753 {strides = array<i32>} : memref<16x1024xf32, #tpu.memory_space<vmem>>, vector<1x16xf32>,
        %get3A_754 = arith.index_cast %scan3A_35 : i32 to index
        %get3A_755 = arith.constant 720 : index
        %get3A_756 = tpu.vector_load %arg7[%get3A_754, %get3A_755] {strides = array<i32>} : memref<16x1024xf32, #tpu.memory_space<vmem>>, vector<1x16xf32>,
        %get3A_757 = vector.shape_cast %get3A_756 : vector<1x16xf32> to vector<16xf32>
        %mul3A_758 = vector.broadcast %scan3A_4 : f32 to vector<16xf32>
        %mul3A_759 = arith.mulf %get3A_757, %mul3A_758 : vector<16xf32>
        %get3A_760 = arith.index_cast %scan3A_35 : i32 to index
        %get3A_761 = arith.constant 720 : index
        %get3A_762 = tpu.vector_load %arg8[%get3A_760, %get3A_761] {strides = array<i32>} : memref<16x1024xf32, #tpu.memory_space<vmem>>, vector<1x16xf32>,
        %get3A_763 = vector.shape_cast %get3A_762 : vector<1x16xf32> to vector<16xf32>
        %add3A_764 = arith.addf %mul3A_759, %get3A_763 : vector<16xf32>
        %swap3A_765 = arith.index_cast %scan3A_35 : i32 to index
        %swap3A_766 = arith.constant 720 : index
        %swap3A_767 = tpu.vector_load %arg7[%swap3A_765, %swap3A_766] {strides = array<i32>} : memref<16x1024xf32, #tpu.memory_space<vmem>>, vector<1x16xf32>,
        %swap3A_768 = vector.shape_cast %swap3A_767 : vector<1x16xf32> to vector<16xf32>
        %swap3A_769 = vector.shape_cast %add3A_764 : vector<16xf32> to vector<1x16xf32>
        tpu.vector_store %arg7[%swap3A_765, %swap3A_766], %swap3A_769 {strides = array<i32>} : memref<16x1024xf32, #tpu.memory_space<vmem>>, vector<1x16xf32>,
        %get3A_770 = arith.index_cast %scan3A_35 : i32 to index
        %get3A_771 = arith.constant 736 : index
        %get3A_772 = tpu.vector_load %arg7[%get3A_770, %get3A_771] {strides = array<i32>} : memref<16x1024xf32, #tpu.memory_space<vmem>>, vector<1x16xf32>,
        %get3A_773 = vector.shape_cast %get3A_772 : vector<1x16xf32> to vector<16xf32>
        %mul3A_774 = vector.broadcast %scan3A_4 : f32 to vector<16xf32>
        %mul3A_775 = arith.mulf %get3A_773, %mul3A_774 : vector<16xf32>
        %get3A_776 = arith.index_cast %scan3A_35 : i32 to index
        %get3A_777 = arith.constant 736 : index
        %get3A_778 = tpu.vector_load %arg8[%get3A_776, %get3A_777] {strides = array<i32>} : memref<16x1024xf32, #tpu.memory_space<vmem>>, vector<1x16xf32>,
        %get3A_779 = vector.shape_cast %get3A_778 : vector<1x16xf32> to vector<16xf32>
        %add3A_780 = arith.addf %mul3A_775, %get3A_779 : vector<16xf32>
        %swap3A_781 = arith.index_cast %scan3A_35 : i32 to index
        %swap3A_782 = arith.constant 736 : index
        %swap3A_783 = tpu.vector_load %arg7[%swap3A_781, %swap3A_782] {strides = array<i32>} : memref<16x1024xf32, #tpu.memory_space<vmem>>, vector<1x16xf32>,
        %swap3A_784 = vector.shape_cast %swap3A_783 : vector<1x16xf32> to vector<16xf32>
        %swap3A_785 = vector.shape_cast %add3A_780 : vector<16xf32> to vector<1x16xf32>
        tpu.vector_store %arg7[%swap3A_781, %swap3A_782], %swap3A_785 {strides = array<i32>} : memref<16x1024xf32, #tpu.memory_space<vmem>>, vector<1x16xf32>,
        %get3A_786 = arith.index_cast %scan3A_35 : i32 to index
        %get3A_787 = arith.constant 752 : index
        %get3A_788 = tpu.vector_load %arg7[%get3A_786, %get3A_787] {strides = array<i32>} : memref<16x1024xf32, #tpu.memory_space<vmem>>, vector<1x16xf32>,
        %get3A_789 = vector.shape_cast %get3A_788 : vector<1x16xf32> to vector<16xf32>
        %mul3A_790 = vector.broadcast %scan3A_4 : f32 to vector<16xf32>
        %mul3A_791 = arith.mulf %get3A_789, %mul3A_790 : vector<16xf32>
        %get3A_792 = arith.index_cast %scan3A_35 : i32 to index
        %get3A_793 = arith.constant 752 : index
        %get3A_794 = tpu.vector_load %arg8[%get3A_792, %get3A_793] {strides = array<i32>} : memref<16x1024xf32, #tpu.memory_space<vmem>>, vector<1x16xf32>,
        %get3A_795 = vector.shape_cast %get3A_794 : vector<1x16xf32> to vector<16xf32>
        %add3A_796 = arith.addf %mul3A_791, %get3A_795 : vector<16xf32>
        %swap3A_797 = arith.index_cast %scan3A_35 : i32 to index
        %swap3A_798 = arith.constant 752 : index
        %swap3A_799 = tpu.vector_load %arg7[%swap3A_797, %swap3A_798] {strides = array<i32>} : memref<16x1024xf32, #tpu.memory_space<vmem>>, vector<1x16xf32>,
        %swap3A_800 = vector.shape_cast %swap3A_799 : vector<1x16xf32> to vector<16xf32>
        %swap3A_801 = vector.shape_cast %add3A_796 : vector<16xf32> to vector<1x16xf32>
        tpu.vector_store %arg7[%swap3A_797, %swap3A_798], %swap3A_801 {strides = array<i32>} : memref<16x1024xf32, #tpu.memory_space<vmem>>, vector<1x16xf32>,
        %get3A_802 = arith.index_cast %scan3A_35 : i32 to index
        %get3A_803 = arith.constant 768 : index
        %get3A_804 = tpu.vector_load %arg7[%get3A_802, %get3A_803] {strides = array<i32>} : memref<16x1024xf32, #tpu.memory_space<vmem>>, vector<1x16xf32>,
        %get3A_805 = vector.shape_cast %get3A_804 : vector<1x16xf32> to vector<16xf32>
        %mul3A_806 = vector.broadcast %scan3A_4 : f32 to vector<16xf32>
        %mul3A_807 = arith.mulf %get3A_805, %mul3A_806 : vector<16xf32>
        %get3A_808 = arith.index_cast %scan3A_35 : i32 to index
        %get3A_809 = arith.constant 768 : index
        %get3A_810 = tpu.vector_load %arg8[%get3A_808, %get3A_809] {strides = array<i32>} : memref<16x1024xf32, #tpu.memory_space<vmem>>, vector<1x16xf32>,
        %get3A_811 = vector.shape_cast %get3A_810 : vector<1x16xf32> to vector<16xf32>
        %add3A_812 = arith.addf %mul3A_807, %get3A_811 : vector<16xf32>
        %swap3A_813 = arith.index_cast %scan3A_35 : i32 to index
        %swap3A_814 = arith.constant 768 : index
        %swap3A_815 = tpu.vector_load %arg7[%swap3A_813, %swap3A_814] {strides = array<i32>} : memref<16x1024xf32, #tpu.memory_space<vmem>>, vector<1x16xf32>,
        %swap3A_816 = vector.shape_cast %swap3A_815 : vector<1x16xf32> to vector<16xf32>
        %swap3A_817 = vector.shape_cast %add3A_812 : vector<16xf32> to vector<1x16xf32>
        tpu.vector_store %arg7[%swap3A_813, %swap3A_814], %swap3A_817 {strides = array<i32>} : memref<16x1024xf32, #tpu.memory_space<vmem>>, vector<1x16xf32>,
        %get3A_818 = arith.index_cast %scan3A_35 : i32 to index
        %get3A_819 = arith.constant 784 : index
        %get3A_820 = tpu.vector_load %arg7[%get3A_818, %get3A_819] {strides = array<i32>} : memref<16x1024xf32, #tpu.memory_space<vmem>>, vector<1x16xf32>,
        %get3A_821 = vector.shape_cast %get3A_820 : vector<1x16xf32> to vector<16xf32>
        %mul3A_822 = vector.broadcast %scan3A_4 : f32 to vector<16xf32>
        %mul3A_823 = arith.mulf %get3A_821, %mul3A_822 : vector<16xf32>
        %get3A_824 = arith.index_cast %scan3A_35 : i32 to index
        %get3A_825 = arith.constant 784 : index
        %get3A_826 = tpu.vector_load %arg8[%get3A_824, %get3A_825] {strides = array<i32>} : memref<16x1024xf32, #tpu.memory_space<vmem>>, vector<1x16xf32>,
        %get3A_827 = vector.shape_cast %get3A_826 : vector<1x16xf32> to vector<16xf32>
        %add3A_828 = arith.addf %mul3A_823, %get3A_827 : vector<16xf32>
        %swap3A_829 = arith.index_cast %scan3A_35 : i32 to index
        %swap3A_830 = arith.constant 784 : index
        %swap3A_831 = tpu.vector_load %arg7[%swap3A_829, %swap3A_830] {strides = array<i32>} : memref<16x1024xf32, #tpu.memory_space<vmem>>, vector<1x16xf32>,
        %swap3A_832 = vector.shape_cast %swap3A_831 : vector<1x16xf32> to vector<16xf32>
        %swap3A_833 = vector.shape_cast %add3A_828 : vector<16xf32> to vector<1x16xf32>
        tpu.vector_store %arg7[%swap3A_829, %swap3A_830], %swap3A_833 {strides = array<i32>} : memref<16x1024xf32, #tpu.memory_space<vmem>>, vector<1x16xf32>,
        %get3A_834 = arith.index_cast %scan3A_35 : i32 to index
        %get3A_835 = arith.constant 800 : index
        %get3A_836 = tpu.vector_load %arg7[%get3A_834, %get3A_835] {strides = array<i32>} : memref<16x1024xf32, #tpu.memory_space<vmem>>, vector<1x16xf32>,
        %get3A_837 = vector.shape_cast %get3A_836 : vector<1x16xf32> to vector<16xf32>
        %mul3A_838 = vector.broadcast %scan3A_4 : f32 to vector<16xf32>
        %mul3A_839 = arith.mulf %get3A_837, %mul3A_838 : vector<16xf32>
        %get3A_840 = arith.index_cast %scan3A_35 : i32 to index
        %get3A_841 = arith.constant 800 : index
        %get3A_842 = tpu.vector_load %arg8[%get3A_840, %get3A_841] {strides = array<i32>} : memref<16x1024xf32, #tpu.memory_space<vmem>>, vector<1x16xf32>,
        %get3A_843 = vector.shape_cast %get3A_842 : vector<1x16xf32> to vector<16xf32>
        %add3A_844 = arith.addf %mul3A_839, %get3A_843 : vector<16xf32>
        %swap3A_845 = arith.index_cast %scan3A_35 : i32 to index
        %swap3A_846 = arith.constant 800 : index
        %swap3A_847 = tpu.vector_load %arg7[%swap3A_845, %swap3A_846] {strides = array<i32>} : memref<16x1024xf32, #tpu.memory_space<vmem>>, vector<1x16xf32>,
        %swap3A_848 = vector.shape_cast %swap3A_847 : vector<1x16xf32> to vector<16xf32>
        %swap3A_849 = vector.shape_cast %add3A_844 : vector<16xf32> to vector<1x16xf32>
        tpu.vector_store %arg7[%swap3A_845, %swap3A_846], %swap3A_849 {strides = array<i32>} : memref<16x1024xf32, #tpu.memory_space<vmem>>, vector<1x16xf32>,
        %get3A_850 = arith.index_cast %scan3A_35 : i32 to index
        %get3A_851 = arith.constant 816 : index
        %get3A_852 = tpu.vector_load %arg7[%get3A_850, %get3A_851] {strides = array<i32>} : memref<16x1024xf32, #tpu.memory_space<vmem>>, vector<1x16xf32>,
        %get3A_853 = vector.shape_cast %get3A_852 : vector<1x16xf32> to vector<16xf32>
        %mul3A_854 = vector.broadcast %scan3A_4 : f32 to vector<16xf32>
        %mul3A_855 = arith.mulf %get3A_853, %mul3A_854 : vector<16xf32>
        %get3A_856 = arith.index_cast %scan3A_35 : i32 to index
        %get3A_857 = arith.constant 816 : index
        %get3A_858 = tpu.vector_load %arg8[%get3A_856, %get3A_857] {strides = array<i32>} : memref<16x1024xf32, #tpu.memory_space<vmem>>, vector<1x16xf32>,
        %get3A_859 = vector.shape_cast %get3A_858 : vector<1x16xf32> to vector<16xf32>
        %add3A_860 = arith.addf %mul3A_855, %get3A_859 : vector<16xf32>
        %swap3A_861 = arith.index_cast %scan3A_35 : i32 to index
        %swap3A_862 = arith.constant 816 : index
        %swap3A_863 = tpu.vector_load %arg7[%swap3A_861, %swap3A_862] {strides = array<i32>} : memref<16x1024xf32, #tpu.memory_space<vmem>>, vector<1x16xf32>,
        %swap3A_864 = vector.shape_cast %swap3A_863 : vector<1x16xf32> to vector<16xf32>
        %swap3A_865 = vector.shape_cast %add3A_860 : vector<16xf32> to vector<1x16xf32>
        tpu.vector_store %arg7[%swap3A_861, %swap3A_862], %swap3A_865 {strides = array<i32>} : memref<16x1024xf32, #tpu.memory_space<vmem>>, vector<1x16xf32>,
        %get3A_866 = arith.index_cast %scan3A_35 : i32 to index
        %get3A_867 = arith.constant 832 : index
        %get3A_868 = tpu.vector_load %arg7[%get3A_866, %get3A_867] {strides = array<i32>} : memref<16x1024xf32, #tpu.memory_space<vmem>>, vector<1x16xf32>,
        %get3A_869 = vector.shape_cast %get3A_868 : vector<1x16xf32> to vector<16xf32>
        %mul3A_870 = vector.broadcast %scan3A_4 : f32 to vector<16xf32>
        %mul3A_871 = arith.mulf %get3A_869, %mul3A_870 : vector<16xf32>
        %get3A_872 = arith.index_cast %scan3A_35 : i32 to index
        %get3A_873 = arith.constant 832 : index
        %get3A_874 = tpu.vector_load %arg8[%get3A_872, %get3A_873] {strides = array<i32>} : memref<16x1024xf32, #tpu.memory_space<vmem>>, vector<1x16xf32>,
        %get3A_875 = vector.shape_cast %get3A_874 : vector<1x16xf32> to vector<16xf32>
        %add3A_876 = arith.addf %mul3A_871, %get3A_875 : vector<16xf32>
        %swap3A_877 = arith.index_cast %scan3A_35 : i32 to index
        %swap3A_878 = arith.constant 832 : index
        %swap3A_879 = tpu.vector_load %arg7[%swap3A_877, %swap3A_878] {strides = array<i32>} : memref<16x1024xf32, #tpu.memory_space<vmem>>, vector<1x16xf32>,
        %swap3A_880 = vector.shape_cast %swap3A_879 : vector<1x16xf32> to vector<16xf32>
        %swap3A_881 = vector.shape_cast %add3A_876 : vector<16xf32> to vector<1x16xf32>
        tpu.vector_store %arg7[%swap3A_877, %swap3A_878], %swap3A_881 {strides = array<i32>} : memref<16x1024xf32, #tpu.memory_space<vmem>>, vector<1x16xf32>,
        %get3A_882 = arith.index_cast %scan3A_35 : i32 to index
        %get3A_883 = arith.constant 848 : index
        %get3A_884 = tpu.vector_load %arg7[%get3A_882, %get3A_883] {strides = array<i32>} : memref<16x1024xf32, #tpu.memory_space<vmem>>, vector<1x16xf32>,
        %get3A_885 = vector.shape_cast %get3A_884 : vector<1x16xf32> to vector<16xf32>
        %mul3A_886 = vector.broadcast %scan3A_4 : f32 to vector<16xf32>
        %mul3A_887 = arith.mulf %get3A_885, %mul3A_886 : vector<16xf32>
        %get3A_888 = arith.index_cast %scan3A_35 : i32 to index
        %get3A_889 = arith.constant 848 : index
        %get3A_890 = tpu.vector_load %arg8[%get3A_888, %get3A_889] {strides = array<i32>} : memref<16x1024xf32, #tpu.memory_space<vmem>>, vector<1x16xf32>,
        %get3A_891 = vector.shape_cast %get3A_890 : vector<1x16xf32> to vector<16xf32>
        %add3A_892 = arith.addf %mul3A_887, %get3A_891 : vector<16xf32>
        %swap3A_893 = arith.index_cast %scan3A_35 : i32 to index
        %swap3A_894 = arith.constant 848 : index
        %swap3A_895 = tpu.vector_load %arg7[%swap3A_893, %swap3A_894] {strides = array<i32>} : memref<16x1024xf32, #tpu.memory_space<vmem>>, vector<1x16xf32>,
        %swap3A_896 = vector.shape_cast %swap3A_895 : vector<1x16xf32> to vector<16xf32>
        %swap3A_897 = vector.shape_cast %add3A_892 : vector<16xf32> to vector<1x16xf32>
        tpu.vector_store %arg7[%swap3A_893, %swap3A_894], %swap3A_897 {strides = array<i32>} : memref<16x1024xf32, #tpu.memory_space<vmem>>, vector<1x16xf32>,
        %get3A_898 = arith.index_cast %scan3A_35 : i32 to index
        %get3A_899 = arith.constant 864 : index
        %get3A_900 = tpu.vector_load %arg7[%get3A_898, %get3A_899] {strides = array<i32>} : memref<16x1024xf32, #tpu.memory_space<vmem>>, vector<1x16xf32>,
        %get3A_901 = vector.shape_cast %get3A_900 : vector<1x16xf32> to vector<16xf32>
        %mul3A_902 = vector.broadcast %scan3A_4 : f32 to vector<16xf32>
        %mul3A_903 = arith.mulf %get3A_901, %mul3A_902 : vector<16xf32>
        %get3A_904 = arith.index_cast %scan3A_35 : i32 to index
        %get3A_905 = arith.constant 864 : index
        %get3A_906 = tpu.vector_load %arg8[%get3A_904, %get3A_905] {strides = array<i32>} : memref<16x1024xf32, #tpu.memory_space<vmem>>, vector<1x16xf32>,
        %get3A_907 = vector.shape_cast %get3A_906 : vector<1x16xf32> to vector<16xf32>
        %add3A_908 = arith.addf %mul3A_903, %get3A_907 : vector<16xf32>
        %swap3A_909 = arith.index_cast %scan3A_35 : i32 to index
        %swap3A_910 = arith.constant 864 : index
        %swap3A_911 = tpu.vector_load %arg7[%swap3A_909, %swap3A_910] {strides = array<i32>} : memref<16x1024xf32, #tpu.memory_space<vmem>>, vector<1x16xf32>,
        %swap3A_912 = vector.shape_cast %swap3A_911 : vector<1x16xf32> to vector<16xf32>
        %swap3A_913 = vector.shape_cast %add3A_908 : vector<16xf32> to vector<1x16xf32>
        tpu.vector_store %arg7[%swap3A_909, %swap3A_910], %swap3A_913 {strides = array<i32>} : memref<16x1024xf32, #tpu.memory_space<vmem>>, vector<1x16xf32>,
        %get3A_914 = arith.index_cast %scan3A_35 : i32 to index
        %get3A_915 = arith.constant 880 : index
        %get3A_916 = tpu.vector_load %arg7[%get3A_914, %get3A_915] {strides = array<i32>} : memref<16x1024xf32, #tpu.memory_space<vmem>>, vector<1x16xf32>,
        %get3A_917 = vector.shape_cast %get3A_916 : vector<1x16xf32> to vector<16xf32>
        %mul3A_918 = vector.broadcast %scan3A_4 : f32 to vector<16xf32>
        %mul3A_919 = arith.mulf %get3A_917, %mul3A_918 : vector<16xf32>
        %get3A_920 = arith.index_cast %scan3A_35 : i32 to index
        %get3A_921 = arith.constant 880 : index
        %get3A_922 = tpu.vector_load %arg8[%get3A_920, %get3A_921] {strides = array<i32>} : memref<16x1024xf32, #tpu.memory_space<vmem>>, vector<1x16xf32>,
        %get3A_923 = vector.shape_cast %get3A_922 : vector<1x16xf32> to vector<16xf32>
        %add3A_924 = arith.addf %mul3A_919, %get3A_923 : vector<16xf32>
        %swap3A_925 = arith.index_cast %scan3A_35 : i32 to index
        %swap3A_926 = arith.constant 880 : index
        %swap3A_927 = tpu.vector_load %arg7[%swap3A_925, %swap3A_926] {strides = array<i32>} : memref<16x1024xf32, #tpu.memory_space<vmem>>, vector<1x16xf32>,
        %swap3A_928 = vector.shape_cast %swap3A_927 : vector<1x16xf32> to vector<16xf32>
        %swap3A_929 = vector.shape_cast %add3A_924 : vector<16xf32> to vector<1x16xf32>
        tpu.vector_store %arg7[%swap3A_925, %swap3A_926], %swap3A_929 {strides = array<i32>} : memref<16x1024xf32, #tpu.memory_space<vmem>>, vector<1x16xf32>,
        %get3A_930 = arith.index_cast %scan3A_35 : i32 to index
        %get3A_931 = arith.constant 896 : index
        %get3A_932 = tpu.vector_load %arg7[%get3A_930, %get3A_931] {strides = array<i32>} : memref<16x1024xf32, #tpu.memory_space<vmem>>, vector<1x16xf32>,
        %get3A_933 = vector.shape_cast %get3A_932 : vector<1x16xf32> to vector<16xf32>
        %mul3A_934 = vector.broadcast %scan3A_4 : f32 to vector<16xf32>
        %mul3A_935 = arith.mulf %get3A_933, %mul3A_934 : vector<16xf32>
        %get3A_936 = arith.index_cast %scan3A_35 : i32 to index
        %get3A_937 = arith.constant 896 : index
        %get3A_938 = tpu.vector_load %arg8[%get3A_936, %get3A_937] {strides = array<i32>} : memref<16x1024xf32, #tpu.memory_space<vmem>>, vector<1x16xf32>,
        %get3A_939 = vector.shape_cast %get3A_938 : vector<1x16xf32> to vector<16xf32>
        %add3A_940 = arith.addf %mul3A_935, %get3A_939 : vector<16xf32>
        %swap3A_941 = arith.index_cast %scan3A_35 : i32 to index
        %swap3A_942 = arith.constant 896 : index
        %swap3A_943 = tpu.vector_load %arg7[%swap3A_941, %swap3A_942] {strides = array<i32>} : memref<16x1024xf32, #tpu.memory_space<vmem>>, vector<1x16xf32>,
        %swap3A_944 = vector.shape_cast %swap3A_943 : vector<1x16xf32> to vector<16xf32>
        %swap3A_945 = vector.shape_cast %add3A_940 : vector<16xf32> to vector<1x16xf32>
        tpu.vector_store %arg7[%swap3A_941, %swap3A_942], %swap3A_945 {strides = array<i32>} : memref<16x1024xf32, #tpu.memory_space<vmem>>, vector<1x16xf32>,
        %get3A_946 = arith.index_cast %scan3A_35 : i32 to index
        %get3A_947 = arith.constant 912 : index
        %get3A_948 = tpu.vector_load %arg7[%get3A_946, %get3A_947] {strides = array<i32>} : memref<16x1024xf32, #tpu.memory_space<vmem>>, vector<1x16xf32>,
        %get3A_949 = vector.shape_cast %get3A_948 : vector<1x16xf32> to vector<16xf32>
        %mul3A_950 = vector.broadcast %scan3A_4 : f32 to vector<16xf32>
        %mul3A_951 = arith.mulf %get3A_949, %mul3A_950 : vector<16xf32>
        %get3A_952 = arith.index_cast %scan3A_35 : i32 to index
        %get3A_953 = arith.constant 912 : index
        %get3A_954 = tpu.vector_load %arg8[%get3A_952, %get3A_953] {strides = array<i32>} : memref<16x1024xf32, #tpu.memory_space<vmem>>, vector<1x16xf32>,
        %get3A_955 = vector.shape_cast %get3A_954 : vector<1x16xf32> to vector<16xf32>
        %add3A_956 = arith.addf %mul3A_951, %get3A_955 : vector<16xf32>
        %swap3A_957 = arith.index_cast %scan3A_35 : i32 to index
        %swap3A_958 = arith.constant 912 : index
        %swap3A_959 = tpu.vector_load %arg7[%swap3A_957, %swap3A_958] {strides = array<i32>} : memref<16x1024xf32, #tpu.memory_space<vmem>>, vector<1x16xf32>,
        %swap3A_960 = vector.shape_cast %swap3A_959 : vector<1x16xf32> to vector<16xf32>
        %swap3A_961 = vector.shape_cast %add3A_956 : vector<16xf32> to vector<1x16xf32>
        tpu.vector_store %arg7[%swap3A_957, %swap3A_958], %swap3A_961 {strides = array<i32>} : memref<16x1024xf32, #tpu.memory_space<vmem>>, vector<1x16xf32>,
        %get3A_962 = arith.index_cast %scan3A_35 : i32 to index
        %get3A_963 = arith.constant 928 : index
        %get3A_964 = tpu.vector_load %arg7[%get3A_962, %get3A_963] {strides = array<i32>} : memref<16x1024xf32, #tpu.memory_space<vmem>>, vector<1x16xf32>,
        %get3A_965 = vector.shape_cast %get3A_964 : vector<1x16xf32> to vector<16xf32>
        %mul3A_966 = vector.broadcast %scan3A_4 : f32 to vector<16xf32>
        %mul3A_967 = arith.mulf %get3A_965, %mul3A_966 : vector<16xf32>
        %get3A_968 = arith.index_cast %scan3A_35 : i32 to index
        %get3A_969 = arith.constant 928 : index
        %get3A_970 = tpu.vector_load %arg8[%get3A_968, %get3A_969] {strides = array<i32>} : memref<16x1024xf32, #tpu.memory_space<vmem>>, vector<1x16xf32>,
        %get3A_971 = vector.shape_cast %get3A_970 : vector<1x16xf32> to vector<16xf32>
        %add3A_972 = arith.addf %mul3A_967, %get3A_971 : vector<16xf32>
        %swap3A_973 = arith.index_cast %scan3A_35 : i32 to index
        %swap3A_974 = arith.constant 928 : index
        %swap3A_975 = tpu.vector_load %arg7[%swap3A_973, %swap3A_974] {strides = array<i32>} : memref<16x1024xf32, #tpu.memory_space<vmem>>, vector<1x16xf32>,
        %swap3A_976 = vector.shape_cast %swap3A_975 : vector<1x16xf32> to vector<16xf32>
        %swap3A_977 = vector.shape_cast %add3A_972 : vector<16xf32> to vector<1x16xf32>
        tpu.vector_store %arg7[%swap3A_973, %swap3A_974], %swap3A_977 {strides = array<i32>} : memref<16x1024xf32, #tpu.memory_space<vmem>>, vector<1x16xf32>,
        %get3A_978 = arith.index_cast %scan3A_35 : i32 to index
        %get3A_979 = arith.constant 944 : index
        %get3A_980 = tpu.vector_load %arg7[%get3A_978, %get3A_979] {strides = array<i32>} : memref<16x1024xf32, #tpu.memory_space<vmem>>, vector<1x16xf32>,
        %get3A_981 = vector.shape_cast %get3A_980 : vector<1x16xf32> to vector<16xf32>
        %mul3A_982 = vector.broadcast %scan3A_4 : f32 to vector<16xf32>
        %mul3A_983 = arith.mulf %get3A_981, %mul3A_982 : vector<16xf32>
        %get3A_984 = arith.index_cast %scan3A_35 : i32 to index
        %get3A_985 = arith.constant 944 : index
        %get3A_986 = tpu.vector_load %arg8[%get3A_984, %get3A_985] {strides = array<i32>} : memref<16x1024xf32, #tpu.memory_space<vmem>>, vector<1x16xf32>,
        %get3A_987 = vector.shape_cast %get3A_986 : vector<1x16xf32> to vector<16xf32>
        %add3A_988 = arith.addf %mul3A_983, %get3A_987 : vector<16xf32>
        %swap3A_989 = arith.index_cast %scan3A_35 : i32 to index
        %swap3A_990 = arith.constant 944 : index
        %swap3A_991 = tpu.vector_load %arg7[%swap3A_989, %swap3A_990] {strides = array<i32>} : memref<16x1024xf32, #tpu.memory_space<vmem>>, vector<1x16xf32>,
        %swap3A_992 = vector.shape_cast %swap3A_991 : vector<1x16xf32> to vector<16xf32>
        %swap3A_993 = vector.shape_cast %add3A_988 : vector<16xf32> to vector<1x16xf32>
        tpu.vector_store %arg7[%swap3A_989, %swap3A_990], %swap3A_993 {strides = array<i32>} : memref<16x1024xf32, #tpu.memory_space<vmem>>, vector<1x16xf32>,
        %get3A_994 = arith.index_cast %scan3A_35 : i32 to index
        %get3A_995 = arith.constant 960 : index
        %get3A_996 = tpu.vector_load %arg7[%get3A_994, %get3A_995] {strides = array<i32>} : memref<16x1024xf32, #tpu.memory_space<vmem>>, vector<1x16xf32>,
        %get3A_997 = vector.shape_cast %get3A_996 : vector<1x16xf32> to vector<16xf32>
        %mul3A_998 = vector.broadcast %scan3A_4 : f32 to vector<16xf32>
        %mul3A_999 = arith.mulf %get3A_997, %mul3A_998 : vector<16xf32>
        %get3A_1000 = arith.index_cast %scan3A_35 : i32 to index
        %get3A_1001 = arith.constant 960 : index
        %get3A_1002 = tpu.vector_load %arg8[%get3A_1000, %get3A_1001] {strides = array<i32>} : memref<16x1024xf32, #tpu.memory_space<vmem>>, vector<1x16xf32>,
        %get3A_1003 = vector.shape_cast %get3A_1002 : vector<1x16xf32> to vector<16xf32>
        %add3A_1004 = arith.addf %mul3A_999, %get3A_1003 : vector<16xf32>
        %swap3A_1005 = arith.index_cast %scan3A_35 : i32 to index
        %swap3A_1006 = arith.constant 960 : index
        %swap3A_1007 = tpu.vector_load %arg7[%swap3A_1005, %swap3A_1006] {strides = array<i32>} : memref<16x1024xf32, #tpu.memory_space<vmem>>, vector<1x16xf32>,
        %swap3A_1008 = vector.shape_cast %swap3A_1007 : vector<1x16xf32> to vector<16xf32>
        %swap3A_1009 = vector.shape_cast %add3A_1004 : vector<16xf32> to vector<1x16xf32>
        tpu.vector_store %arg7[%swap3A_1005, %swap3A_1006], %swap3A_1009 {strides = array<i32>} : memref<16x1024xf32, #tpu.memory_space<vmem>>, vector<1x16xf32>,
        %get3A_1010 = arith.index_cast %scan3A_35 : i32 to index
        %get3A_1011 = arith.constant 976 : index
        %get3A_1012 = tpu.vector_load %arg7[%get3A_1010, %get3A_1011] {strides = array<i32>} : memref<16x1024xf32, #tpu.memory_space<vmem>>, vector<1x16xf32>,
        %get3A_1013 = vector.shape_cast %get3A_1012 : vector<1x16xf32> to vector<16xf32>
        %mul3A_1014 = vector.broadcast %scan3A_4 : f32 to vector<16xf32>
        %mul3A_1015 = arith.mulf %get3A_1013, %mul3A_1014 : vector<16xf32>
        %get3A_1016 = arith.index_cast %scan3A_35 : i32 to index
        %get3A_1017 = arith.constant 976 : index
        %get3A_1018 = tpu.vector_load %arg8[%get3A_1016, %get3A_1017] {strides = array<i32>} : memref<16x1024xf32, #tpu.memory_space<vmem>>, vector<1x16xf32>,
        %get3A_1019 = vector.shape_cast %get3A_1018 : vector<1x16xf32> to vector<16xf32>
        %add3A_1020 = arith.addf %mul3A_1015, %get3A_1019 : vector<16xf32>
        %swap3A_1021 = arith.index_cast %scan3A_35 : i32 to index
        %swap3A_1022 = arith.constant 976 : index
        %swap3A_1023 = tpu.vector_load %arg7[%swap3A_1021, %swap3A_1022] {strides = array<i32>} : memref<16x1024xf32, #tpu.memory_space<vmem>>, vector<1x16xf32>,
        %swap3A_1024 = vector.shape_cast %swap3A_1023 : vector<1x16xf32> to vector<16xf32>
        %swap3A_1025 = vector.shape_cast %add3A_1020 : vector<16xf32> to vector<1x16xf32>
        tpu.vector_store %arg7[%swap3A_1021, %swap3A_1022], %swap3A_1025 {strides = array<i32>} : memref<16x1024xf32, #tpu.memory_space<vmem>>, vector<1x16xf32>,
        %get3A_1026 = arith.index_cast %scan3A_35 : i32 to index
        %get3A_1027 = arith.constant 992 : index
        %get3A_1028 = tpu.vector_load %arg7[%get3A_1026, %get3A_1027] {strides = array<i32>} : memref<16x1024xf32, #tpu.memory_space<vmem>>, vector<1x16xf32>,
        %get3A_1029 = vector.shape_cast %get3A_1028 : vector<1x16xf32> to vector<16xf32>
        %mul3A_1030 = vector.broadcast %scan3A_4 : f32 to vector<16xf32>
        %mul3A_1031 = arith.mulf %get3A_1029, %mul3A_1030 : vector<16xf32>
        %get3A_1032 = arith.index_cast %scan3A_35 : i32 to index
        %get3A_1033 = arith.constant 992 : index
        %get3A_1034 = tpu.vector_load %arg8[%get3A_1032, %get3A_1033] {strides = array<i32>} : memref<16x1024xf32, #tpu.memory_space<vmem>>, vector<1x16xf32>,
        %get3A_1035 = vector.shape_cast %get3A_1034 : vector<1x16xf32> to vector<16xf32>
        %add3A_1036 = arith.addf %mul3A_1031, %get3A_1035 : vector<16xf32>
        %swap3A_1037 = arith.index_cast %scan3A_35 : i32 to index
        %swap3A_1038 = arith.constant 992 : index
        %swap3A_1039 = tpu.vector_load %arg7[%swap3A_1037, %swap3A_1038] {strides = array<i32>} : memref<16x1024xf32, #tpu.memory_space<vmem>>, vector<1x16xf32>,
        %swap3A_1040 = vector.shape_cast %swap3A_1039 : vector<1x16xf32> to vector<16xf32>
        %swap3A_1041 = vector.shape_cast %add3A_1036 : vector<16xf32> to vector<1x16xf32>
        tpu.vector_store %arg7[%swap3A_1037, %swap3A_1038], %swap3A_1041 {strides = array<i32>} : memref<16x1024xf32, #tpu.memory_space<vmem>>, vector<1x16xf32>,
        %get3A_1042 = arith.index_cast %scan3A_35 : i32 to index
        %get3A_1043 = arith.constant 1008 : index
        %get3A_1044 = tpu.vector_load %arg7[%get3A_1042, %get3A_1043] {strides = array<i32>} : memref<16x1024xf32, #tpu.memory_space<vmem>>, vector<1x16xf32>,
        %get3A_1045 = vector.shape_cast %get3A_1044 : vector<1x16xf32> to vector<16xf32>
        %mul3A_1046 = vector.broadcast %scan3A_4 : f32 to vector<16xf32>
        %mul3A_1047 = arith.mulf %get3A_1045, %mul3A_1046 : vector<16xf32>
        %get3A_1048 = arith.index_cast %scan3A_35 : i32 to index
        %get3A_1049 = arith.constant 1008 : index
        %get3A_1050 = tpu.vector_load %arg8[%get3A_1048, %get3A_1049] {strides = array<i32>} : memref<16x1024xf32, #tpu.memory_space<vmem>>, vector<1x16xf32>,
        %get3A_1051 = vector.shape_cast %get3A_1050 : vector<1x16xf32> to vector<16xf32>
        %add3A_1052 = arith.addf %mul3A_1047, %get3A_1051 : vector<16xf32>
        %swap3A_1053 = arith.index_cast %scan3A_35 : i32 to index
        %swap3A_1054 = arith.constant 1008 : index
        %swap3A_1055 = tpu.vector_load %arg7[%swap3A_1053, %swap3A_1054] {strides = array<i32>} : memref<16x1024xf32, #tpu.memory_space<vmem>>, vector<1x16xf32>,
        %swap3A_1056 = vector.shape_cast %swap3A_1055 : vector<1x16xf32> to vector<16xf32>
        %swap3A_1057 = vector.shape_cast %add3A_1052 : vector<16xf32> to vector<1x16xf32>
        tpu.vector_store %arg7[%swap3A_1053, %swap3A_1054], %swap3A_1057 {strides = array<i32>} : memref<16x1024xf32, #tpu.memory_space<vmem>>, vector<1x16xf32>,
      }
      %scan3A_34 = arith.constant 16 : i32
      "tpu.region"() ({
        %run_scoped3A = tpu.sem_alloc : memref<!tpu.dma_semaphore, #tpu.memory_space<semaphore_mem>>
        %dma_start3A_35 = arith.constant 0 : i32
        %dma_start3A_36 = tpu.memref_slice %arg5[%add3A_13, %dma_start3A_35] : memref<16384x1024xf32, #tpu.memory_space<hbm>> -> memref<16x1024xf32, #tpu.memory_space<hbm>>
        %dma_start3A_37 = arith.constant 0 : i32
        %dma_start3A_38 = tpu.memref_slice %arg5[%add3A_13, %dma_start3A_37] : memref<16384x1024xf32, #tpu.memory_space<hbm>> -> memref<16x1024xf32, #tpu.memory_space<hbm>>
        tpu.enqueue_dma source(%arg7 : memref<16x1024xf32, #tpu.memory_space<vmem>>) target(%dma_start3A_38 : memref<16x1024xf32, #tpu.memory_space<hbm>>) target_semaphore(%run_scoped3A : memref<!tpu.dma_semaphore, #tpu.memory_space<semaphore_mem>>)
        %dma_wait3A_39 = arith.constant 0 : i32
        %dma_wait3A_40 = tpu.memref_slice %arg5[%add3A_13, %dma_wait3A_39] : memref<16384x1024xf32, #tpu.memory_space<hbm>> -> memref<16x1024xf32, #tpu.memory_space<hbm>>
        %dma_wait3A_41 = arith.constant 0 : i32
        %dma_wait3A_42 = tpu.memref_slice %arg5[%add3A_13, %dma_wait3A_41] : memref<16384x1024xf32, #tpu.memory_space<hbm>> -> memref<16x1024xf32, #tpu.memory_space<hbm>>
        tpu.wait_dma2 semaphore(%run_scoped3A : memref<!tpu.dma_semaphore, #tpu.memory_space<semaphore_mem>>) src(%arg7 : memref<16x1024xf32, #tpu.memory_space<vmem>>) dst(%dma_wait3A_42 : memref<16x1024xf32, #tpu.memory_space<hbm>>)
        tpu.yield
      }) : () -> ()
    }
    %scan3A_9 = arith.constant 32 : i32
    return
  }
}

</mosaic_0001>

<sc_bundles>
// kernel: kernel.3.cloned.1.call-start
scs
__scs_entry_jumppad:
0x0: {  	(pc) =	sbr.rel $0x88, $3  }
0x1: {  	(tag) =	ssettag $0x0;
	lr =	simm.s32 $0x1  }
0x2: {  	[smem:$0x3F9F] =	sst lr;
	_ =	strace $0xD0000000  }
0x3: {  	_ = 	snop  }
0x4: {  	_ = 	snop  }
0x5: {  	_ = 	snop  }
0x6: {  	_ = 	snop  }
0x7: {  	_ = 	snop  }
__scs_overlays_trampoline_lowered:
0x8: {  	[smem:$0x3FAE] =	sst s0  }
0x9: {  	[smem:$0x3FAF] =	sst s1  }
0xa: {  	[smem:$0x3FB0] =	sst s2  }
0xb: {  	[smem:$0x3FB1] =	sst s3  }
0xc: {  	[smem:$0x3FB2] =	sst s4  }
0xd: {  	[smem:$0x3FB3] =	sst s5  }
0xe: {  	[smem:$0x3FB4] =	sst s6  }
0xf: {  	[smem:$0x3FB5] =	sst s7  }
0x10: {  	[smem:$0x3FB6] =	sst s8  }
0x11: {  	[smem:$0x3FB7] =	sst s9;
	s0 =	simm.s32 @!p0 $0x0  }
0x12: {  	s1 =	sld [smem:$0x3F9D];
	s0 =	simm.s32 @p0 $0x1  }
0x13: {  	[smem:$0x3FB8] =	sst s0;
	s0 =	simm.s32 @!p1 $0x0  }
0x14: {  	s2 =	sld [smem:$0x3F9C];
	s0 =	simm.s32 @p1 $0x1  }
0x15: {  	[smem:$0x3FB9] =	sst s0;
	s0 =	simm.s32 @!p2 $0x0  }
0x16: {  	s3 =	sld [smem:$0x3FDB];
	s0 =	simm.s32 @p2 $0x1  }
0x17: {  	s4 =	simm.s32 $0x1BF5;
	[smem:$0x3FBB] =	sst s0  }
0x18: {  	s0 =	sld [smem:$0x3F9E];
	_ =	swait.ge [sflag:s4], $0x0  }
0x19: {  	s7 =	sld [smem:$0x3F9F]  }
0x1a: {  	s8 =	sadd.s32 $0xFFFFE003, lr  }
0x1b: {  	s9 =	sadd.s32 $0xFFFFFEF7, lr;
	s5 =	simm.s32 $0xFFFFFFFF;
	p2 =	slt.u32 s8, $0xFFFFF086  }
0x1c: {  	p1 =	slt.u32 s9, $0xF7A;
	s5 =	simm.s32 @!p2 $0x0  }
0x1d: {  	s5 =	simm.s32 @p1 $0x1;
	p0 =	seq.s32 s7, s2  }
0x1e: {  	s7 =	smul.u32 @!p0 $0xF7A, s2;
	p2 =	seq.s32 @!p0 s5, $0x0  }
0x1f: {  	s9 =	smul.u32 $0xF7A, s1;
	s8 =	simm.s32 @!p0 $0x1BF5;
	p2 =	por !p2, p0  }
0x20: {  	[sflag:s8] =	ssyncset.s32 @!p0 $0xFFFFF086;
	s6 =	sadd.s32 @!p0 s3, s7;
	s7 =	simm.s32 @!p0 $0x108  }
0x21: {  	s3 =	sadd.s32 s3, s9;
	s6 =	sadd.s32 @!p0 $0x88, s6;
	s7 =	simm.s32 @p2 $0x1082  }
0x22: {  	[simem:s7], [sflag:s8] =	dma.local @!p0 [hbm:s6], $0xF7A  }
0x23: {  	s9 =	sor.u32 $0xD0000000, s2;
	s6 =	simm.s32 $0x108;
	_ =	swait.ge @!p0 [sflag:s8], $0x0  }
0x24: {  	s3 =	sadd.s32 $0x88, s3;
	s6 =	simm.s32 @!p1 $0x1082;
	[sflag:s4] =	ssyncset.s32 $0xFFFFF086  }
0x25: {  	[simem:s6], [sflag:s4] =	dma.local [hbm:s3], $0xF7A  }
0x26: {  	[smem:$0x3F9F] =	sst s1;
	(tag) =	ssettag s2;
	_ =	strace s9  }
0x27: {  	s1 =	sld [smem:$0x3FAF]  }
0x28: {  	s2 =	sld [smem:$0x3FB0]  }
0x29: {  	s4 =	sld [smem:$0x3FB2]  }
0x2a: {  	p0 =	seq.s32 s5, $0x0;
	s5 =	sld [smem:$0x3FB3]  }
0x2b: {  	s6 =	sld [smem:$0x3FB4]  }
0x2c: {  	s7 =	sld [smem:$0x3FB5]  }
0x2d: {  	s3 =	simm.s32 $0x108;
	s8 =	sld [smem:$0x3FB6]  }
0x2e: {  	s3 =	simm.s32 @!p0 $0x1082;
	s9 =	sld [smem:$0x3FB7]  }
0x2f: {  	lr =	sadd.s32 s0, s3;
	s0 =	sld [smem:$0x3FAE]  }
0x30: {  	s3 =	sld [smem:$0x3FB1]  }
0x31: {  	[smem:$0x3FBA] =	sst s10  }
0x32: {  	s10 =	sld [smem:$0x3FB8];
	_ =	sdelay $0x3  }
0x33: {  	p0 =	seq.s32 s10, $0x1;
	s10 =	sld [smem:$0x3FBA];
	_ =	sdelay $0x3  }
0x34: {  	[smem:$0x3FBA] =	sst s10  }
0x35: {  	s10 =	sld [smem:$0x3FB9];
	_ =	sdelay $0x3  }
0x36: {  	p1 =	seq.s32 s10, $0x1;
	s10 =	sld [smem:$0x3FBA];
	_ =	sdelay $0x3  }
0x37: {  	[smem:$0x3FBA] =	sst s10  }
0x38: {  	s10 =	sld [smem:$0x3FBB]  }
0x39: {  	_ = 	snop;
	(pc) =	sbr.ind lr, $3  }
0x3a: {  	_ = 	snop  }
0x3b: {  	_ = 	snop  }
0x3c: {  	p2 =	seq.s32 s10, $0x1;
	s10 =	sld [smem:$0x3FBA]  }
0x3d: {  	_ =	shalt  }
0x3e: {  	_ =	shalt  }
0x3f: {  	_ =	shalt  }
0x40: {  	_ =	shalt  }
0x41: {  	_ =	shalt  }
0x42: {  	_ =	shalt  }
0x43: {  	_ =	shalt  }
0x44: {  	_ =	shalt  }
0x45: {  	_ =	shalt  }
0x46: {  	_ =	shalt  }
0x47: {  	_ =	shalt  }
0x48: {  	_ =	shalt  }
0x49: {  	_ =	shalt  }
0x4a: {  	_ =	shalt  }
0x4b: {  	_ =	shalt  }
0x4c: {  	_ =	shalt  }
0x4d: {  	_ =	shalt  }
0x4e: {  	_ =	shalt  }
0x4f: {  	_ =	shalt  }
0x50: {  	_ =	shalt  }
0x51: {  	_ =	shalt  }
0x52: {  	_ =	shalt  }
0x53: {  	_ =	shalt  }
0x54: {  	_ =	shalt  }
0x55: {  	_ =	shalt  }
0x56: {  	_ =	shalt  }
0x57: {  	_ =	shalt  }
0x58: {  	_ =	shalt  }
0x59: {  	_ =	shalt  }
0x5a: {  	_ =	shalt  }
0x5b: {  	_ =	shalt  }
0x5c: {  	_ =	shalt  }
0x5d: {  	_ =	shalt  }
0x5e: {  	_ =	shalt  }
0x5f: {  	_ =	shalt  }
0x60: {  	_ =	shalt  }
0x61: {  	_ =	shalt  }
0x62: {  	_ =	shalt  }
0x63: {  	_ =	shalt  }
0x64: {  	_ =	shalt  }
0x65: {  	_ =	shalt  }
0x66: {  	_ =	shalt  }
0x67: {  	_ =	shalt  }
0x68: {  	_ =	shalt  }
0x69: {  	_ =	shalt  }
0x6a: {  	_ =	shalt  }
0x6b: {  	_ =	shalt  }
0x6c: {  	_ =	shalt  }
0x6d: {  	_ =	shalt  }
0x6e: {  	_ =	shalt  }
0x6f: {  	_ =	shalt  }
0x70: {  	_ =	shalt  }
0x71: {  	_ =	shalt  }
0x72: {  	_ =	shalt  }
0x73: {  	_ =	shalt  }
0x74: {  	_ =	shalt  }
0x75: {  	_ =	shalt  }
0x76: {  	_ =	shalt  }
0x77: {  	_ =	shalt  }
0x78: {  	_ =	shalt  }
0x79: {  	_ =	shalt  }
0x7a: {  	_ =	shalt  }
0x7b: {  	_ =	shalt  }
0x7c: {  	_ =	shalt  }
0x7d: {  	_ =	shalt  }
0x7e: {  	_ =	shalt  }
0x7f: {  	_ =	shalt  }
0x80: {  	_ =	shalt  }
0x81: {  	_ =	shalt  }
0x82: {  	_ =	shalt  }
0x83: {  	_ =	shalt  }
0x84: {  	_ =	shalt  }
0x85: {  	_ =	shalt  }
0x86: {  	_ =	shalt  }
0x87: {  	_ =	shalt  }
.Lfunc_end0:
.L_simem_size_0:
called_computation_lowered:
.L_overlay_start_0:
0x88: {  	s2 =	sld [smem:$0x3FD9]  }
0x89: {  	s3 =	sld [smem:$0x3FFE];
	_ =	sdelay $0x1  }
0x8a: {  	s1 =	srdreg.scid  }
0x8b: {  	s0 =	sand.u32 $0x1, s1  }
0x8c: {  	s17 =	sshll.u32 s0, $0xA;
	s2 =	sadd.s32 s3, s2  }
0x8d: {  	s2 =	sadd.s32 s2, s17  }
0x8e: {  	[smem:$0x3FC6] =	sst s2  }
0x8f: {  	_ = 	snop  }
0x90: {  	s2 =	sld [smem:$0x3FC8]  }
0x91: {  	s18 =	sld [smem:$0x3FD0];
	(tm) =	ssettm $0x1  }
0x92: {  	s4 =	sld [smem:$0x3FFB];
	_ =	sdelay $0x3  }
0x93: {  	_ =	strace s4  }
0x94: {  	s4 =	sld [smem:$0x3FFC];
	_ =	sdelay $0x3  }
0x95: {  	_ =	strace s4  }
0x96: {  	s4 =	sld [smem:$0x3FFD];
	_ =	sdelay $0x3  }
0x97: {  	_ =	strace s4  }
0x98: {  	_ =	strace $0x8FFFFFFF  }
0x99: {  	s19 =	sld [smem:$0x3FDB];
	_ =	sdelay $0x1  }
0x9a: {  	s5 =	simm.s32 $_scs_section_size  }
0x9b: {  	s6 =	simm.s32 $_size__tile_overlayer_lowered;
	s7 =	simm.s32 $_tile_overlayer_lowered  }
0x9c: {  	s22 =	simm.s32 $0x1BFF;
	s21 =	sshll.u32 s7, $0x1;
	s4 =	sadd.s32 s5, s19  }
0x9d: {  	s8 =	simm.s32 $0x0;
	s20 =	sshll.u32 s6, $0x1;
	s6 =	sadd.s32 s21, s4  }
0x9e: {  	[timem:s8], [sflag:s22] =	dma.local [hbm:s6], s20  }
0x9f: {  	_ =	swait.ge [sflag:s22], s20  }
0xa0: {  	s5 =	ssub.s32 $0x0, s20;
	[sflag:s22] =	ssyncset.done $0x0  }
0xa1: {  	[sflag:s22] =	ssyncadd.s32 s5;
	_ =	sdelay $0x1  }
0xa2: {  	s23 =	simm.s32 $0x1B8B  }
0xa3: {  	_ =	swait.ge [sflag:s23], $0x1  }
0xa4: {  	[sflag:s23] =	ssyncset.done $0x0  }
0xa5: {  	s25 =	simm.s32 $0x1B8E;
	s24 =	sld [smem:$0x3FFE];
	[sflag:s23] =	ssyncadd.s32 $0xFFFFFFFF  }
0xa6: {  	s26 =	simm.s32 $execute0_lowered;
	[smem:$0x3FD2] =	sst s25  }
0xa7: {  	s6 =	sshll.u32 s26, $0x1;
	_ =	strace $0x80000046;
	[dreg:$0x1] =	wrdreg $0xFFFFFFFF  }
0xa8: {  	s28 =	simm.s32 $_size_execute0_lowered;
	s4 =	sadd.s32 s4, s6;
	[dreg:$0x0] =	wrdreg $0x0  }
0xa9: {  	s6 =	sshll.u32 s28, $0x1;
	[dreg:$0x2] =	wrdreg s4  }
0xaa: {  	[dreg:$0x3] =	wrdreg s6  }
0xab: {  	[dreg:$0x4] =	wrdreg $0xC0  }
0xac: {  	_ =	task [dreg:s8], $0x5FFFF  }
0xad: {  	[dreg:$0x1] =	wrdreg $0xFFFFFFFF  }
0xae: {  	[dreg:$0x0] =	wrdreg $0x60  }
0xaf: {  	[dreg:$0x2] =	wrdreg s24  }
0xb0: {  	[dreg:$0x3] =	wrdreg s2  }
0xb1: {  	[dreg:$0x4] =	wrdreg s18  }
0xb2: {  	[dreg:$0x5] =	wrdreg $0x9  }
0xb3: {  	_ =	task.clear_ibuf [dreg:s8], $0x6FFFF;
	_ =	strace $0x90000046  }
0xb4: {  	s29 =	simm.s32 $0x9;
	_ =	strace $0x80000048  }
0xb5: {  	_ =	swait.ge [sflag:s29], $0x1  }
0xb6: {  	[sflag:s29] =	ssyncadd.s32 $0xFFFFFFFF  }
0xb7: {  	_ =	strace $0x90000048  }
0xb8: {  	_ =	sfence  }
0xb9: {  	s30 =	sld [smem:$0x0];
	_ =	sdelay $0x2  }
0xba: {  	s31 =	sshll.u32 s1, $0xD;
	s1 =	sshrl.u32 s1, $0x2  }
0xbb: {  	s3 =	sand.u32 $0x4000, s31;
	s1 =	sadd.s32 s1, s30  }
0xbc: {  	s0 =	sor.u32 s3, s0;
	s1 =	sshll.u32 s1, $0x11  }
0xbd: {  	s0 =	sor.u32 s1, s0  }
0xbe: {  	s0 =	sadd.s32 $0x8F2B, s0  }
0xbf: {  	[sflag:s0] =	ssyncadd.remote.s32 $0x1  }
0xc0: {  	_ =	sfence.sel $0xFFFF  }
0xc1: {  	[dreg:$0x0] =	wrdreg $0xFFFFFFFF;
	(pc) =	sbr.abs _section_cstart, $3  }
0xc2: {  	[dreg:$0x1] =	wrdreg $0xFFFFFFFF  }
0xc3: {  	_ =	task.clear_ibuf [dreg:s8], $0x2FFFF;
	_ =	strace $0x9FFFFFFF  }
0xc4: {  	(tm) =	ssettm $0x7FFFFFFF  }
0xc5: {  	_ =	shalt  }
tec
execute0_lowered:
.L_overlay_start_1:
0x0: {  	(tag) =	ssettag $0x1  }
0x1: {  	s0 =	rddreg [dreg:$0x0]  }
0x2: {  	s1 =	rddreg [dreg:$0x1]  }
0x3: {  	s2 =	rddreg [dreg:$0x2]  }
0x4: {  	s3 =	simm.s32 $0x0;
	s4 =	srdreg.scid;
	s6 =	stileid.u32  }
0x5: {  	s13 =	simm.s32 $0x3;
	s14 =	simm.s32 $0x80;
	s15 =	simm.s32 $0x880  }
0x6: {  	s16 =	simm.s32 $0x1080;
	s17 =	simm.s32 $0x1880;
	s18 =	simm.s32 $0x2080  }
0x7: {  	s19 =	simm.s32 $0x2880;
	s20 =	simm.s32 $0x3080;
	s21 =	simm.s32 $0x3880  }
0x8: {  	s22 =	simm.s32 $0x4080;
	s23 =	simm.s32 $0x1;
	s24 =	simm.s32 $0x2  }
0x9: {  	[smem:$0x7FF] =	sst s3;
	s4 =	sand.u32 $0x1, s4;
	s5 =	sadd.s32 $0x400, s0  }
0xa: {  	s9 =	sshll.u32 s6, $0xA;
	s6 =	sadd.s32 $0xC00, s0;
	s7 =	ssub.s32 $0x2, s4  }
0xb: {  	s10 =	sadd.s32 $0x200, s1;
	s11 =	sadd.s32 $0x300, s1;
	s8 =	sshrl.u32 s7, $0x1  }
0xc: {  	v2 =	vlaneseq.u32;
	_ =	strace $0x80000047;
	s4 =	sshll.u32 s4, $0x9;
	s31 =	ssub.s32 s7, s8  }
0xd: {  	vm0 =	vmmov $0xffff;
	v1 =	vshrl.u32 v2, $0x3;
	s7 =	sor.u32 s4, s9;
	s9 =	sadd.s32 $0x100, s1;
	s0 =	smax.u32 s31, $0x1  }
0xe: {  	v0 =	vand.u32 $0x7, v2;
	v2 =	vor.u32 $0x8, v2;
	v1 =	vmul.u32 $0x8, v1;
	s4 =	simm.s32 $0x0;
	s8 =	sand.u32 $0xE00, s7;
	[dreg:$0x4] =	wrdreg s0  }
.LBB2_1:
0xf: {  	[dreg:$0x5] =	wrdreg s4;
	s26 =	simm.s32 $0x0  }
.LBB2_2:
0x10: {  	s0 =	sshll.u32 s26, $0x4  }
0x11: {  	s28 =	sor.u32 s7, s0  }
0x12: {  	s4 =	sshrl.u32 s28, $0x3  }
0x13: {  	s29 =	simm.s32 $0x0;
	s4 =	sadd.s32 s5, s4  }
0x14: {  	[tilespmem:s29], [sflag:$0x3] =	stream.linear.gather [hbm4b:s4+s29], $0x10, $0x38;
	[tilespmem:$0x8080] =	vst v63  }
0x15: {  	_ =	swait.ge [sflag:s13], $0x10  }
0x16: {  	[sflag:s13] =	ssyncset.done $0x0  }
0x17: {  	[sflag:s13] =	ssyncadd.s32 $0xFFFFFFF0  }
0x18: {  	v3 =	vld [tilespmem:$0x0];
	_ =	sdelay $0x4  }
0x19: {  	v4 =	vshll.u32 v3, $0x3  }
0x1a: {  	v3 =	vand.u32 $0x7, v3;
	v4 =	vand.u32 $0xFFFFFFC0, v4  }
0x1b: {  	v3 =	vor.u32 v3, v4  }
0x1c: {  	v4 =	vperm.xlane v3, v0;
	_ =	sdelay $0x1  }
0x1d: {  	v4 =	vadd.s32 v1, v4;
	_ =	sdelay $0x4  }
0x1e: {  	[tilespmem:s14], [sflag:$0x1] =	stream.indirect_vreg.gather [hbm4b:s1+s29], $0x80, v4, vm0, $0xb8;
	[tilespmem:$0x8080] =	vst v63  }
0x1f: {  	v3 =	vperm.xlane v3, v2  }
0x20: {  	[tilespmem:s15], [sflag:$0x1] =	stream.indirect_vreg.gather [hbm4b:s9+s29], $0x80, v4, vm0, $0xb8;
	[tilespmem:$0x8080] =	vst v63  }
0x21: {  	v3 =	vadd.s32 v1, v3  }
0x22: {  	[tilespmem:s16], [sflag:$0x1] =	stream.indirect_vreg.gather [hbm4b:s10+s29], $0x80, v4, vm0, $0xb8;
	[tilespmem:$0x8080] =	vst v63  }
0x23: {  	_ = 	snop  }
0x24: {  	[tilespmem:s17], [sflag:$0x1] =	stream.indirect_vreg.gather [hbm4b:s11+s29], $0x80, v4, vm0, $0xb8;
	[tilespmem:$0x8080] =	vst v63  }
0x25: {  	_ = 	snop  }
0x26: {  	[tilespmem:s18], [sflag:$0x1] =	stream.indirect_vreg.gather [hbm4b:s1+s29], $0x80, v3, vm0, $0xb8;
	[tilespmem:$0x8080] =	vst v63  }
0x27: {  	_ = 	snop  }
0x28: {  	[tilespmem:s19], [sflag:$0x1] =	stream.indirect_vreg.gather [hbm4b:s9+s29], $0x80, v3, vm0, $0xb8;
	[tilespmem:$0x8080] =	vst v63  }
0x29: {  	s0 =	sadd.s32 s8, s0  }
0x2a: {  	[tilespmem:s20], [sflag:$0x1] =	stream.indirect_vreg.gather [hbm4b:s10+s29], $0x80, v3, vm0, $0xb8;
	[tilespmem:$0x8080] =	vst v63  }
0x2b: {  	s0 =	sshll.u32 s0, $0x7  }
0x2c: {  	[tilespmem:s21], [sflag:$0x1] =	stream.indirect_vreg.gather [hbm4b:s11+s29], $0x80, v3, vm0, $0xb8;
	[tilespmem:$0x8080] =	vst v63  }
0x2d: {  	s0 =	sadd.s32 s6, s0  }
0x2e: {  	[tilespmem:s22], [sflag:$0x2] =	stream.linear.gather [hbm4b:s0+s29], $0x4000, $0x38;
	[tilespmem:$0x8080] =	vst v63  }
0x2f: {  	_ =	swait.ge [sflag:s23], $0x4000  }
0x30: {  	[sflag:s23] =	ssyncset.done $0x0  }
0x31: {  	[sflag:s23] =	ssyncadd.s32 $0xFFFFC000  }
0x32: {  	_ =	swait.ge [sflag:s24], $0x4000  }
0x33: {  	s30 =	simm.s32 $0xFFFFC000;
	[sflag:s24] =	ssyncset.done $0x0  }
0x34: {  	s31 =	simm.s32 $0x0;
	s0 =	simm.s32 $0x0;
	[sflag:s24] =	ssyncadd.s32 $0xFFFFC000  }
.LBB2_3:
0x35: {  	s4 =	sadd.s32 $0x4000, s30  }
0x36: {  	s12 =	sand.u32 $0x380, s0;
	s4 =	sand.u32 $0x2000, s4  }
0x37: {  	s4 =	sor.u32 s12, s4  }
0x38: {  	v3 =	vld [tilespmem:s4+$0x80]  }
0x39: {  	v4 =	vld [tilespmem:s4+$0x4080]  }
0x3a: {  	v5 =	vld [tilespmem:s4+$0x90]  }
0x3b: {  	v6 =	vld [tilespmem:s4+$0x4090]  }
0x3c: {  	v7 =	vld [tilespmem:s4+$0xA0]  }
0x3d: {  	v8 =	vld [tilespmem:s4+$0x40A0]  }
0x3e: {  	v9 =	vld [tilespmem:s4+$0xB0]  }
0x3f: {  	v10 =	vld [tilespmem:s4+$0x40B0]  }
0x40: {  	v11 =	vld [tilespmem:s4+$0xC0]  }
0x41: {  	v12 =	vld [tilespmem:s4+$0x40C0]  }
0x42: {  	v13 =	vld [tilespmem:s4+$0xD0]  }
0x43: {  	v14 =	vld [tilespmem:s4+$0x40D0]  }
0x44: {  	v15 =	vld [tilespmem:s4+$0xE0]  }
0x45: {  	v16 =	vld [tilespmem:s4+$0x40E0]  }
0x46: {  	v17 =	vld [tilespmem:s4+$0xF0]  }
0x47: {  	v18 =	vld [tilespmem:s4+$0x40F0]  }
0x48: {  	v19 =	vld [tilespmem:s4+$0x480]  }
0x49: {  	v20 =	vld [tilespmem:s4+$0x4480]  }
0x4a: {  	v21 =	vld [tilespmem:s4+$0x490]  }
0x4b: {  	v22 =	vld [tilespmem:s4+$0x4490]  }
0x4c: {  	v23 =	vld [tilespmem:s4+$0x4A0]  }
0x4d: {  	v24 =	vld [tilespmem:s4+$0x44A0]  }
0x4e: {  	v25 =	vld [tilespmem:s4+$0x4B0]  }
0x4f: {  	v26 =	vld [tilespmem:s4+$0x44B0]  }
0x50: {  	v27 =	vld [tilespmem:s4+$0x4C0]  }
0x51: {  	v28 =	vld [tilespmem:s4+$0x44C0]  }
0x52: {  	v29 =	vld [tilespmem:s4+$0x4D0]  }
0x53: {  	v30 =	vld [tilespmem:s4+$0x44D0]  }
0x54: {  	v31 =	vld [tilespmem:s4+$0x4E0]  }
0x55: {  	v32 =	vld [tilespmem:s4+$0x44E0]  }
0x56: {  	v33 =	vld [tilespmem:s4+$0x4F0]  }
0x57: {  	v34 =	vld [tilespmem:s4+$0x44F0]  }
0x58: {  	v35 =	vld [tilespmem:s4+$0x880]  }
0x59: {  	v36 =	vld [tilespmem:s4+$0x4880]  }
0x5a: {  	v37 =	vld [tilespmem:s4+$0x890]  }
0x5b: {  	v38 =	vld [tilespmem:s4+$0x4890]  }
0x5c: {  	v39 =	vld [tilespmem:s4+$0x8A0]  }
0x5d: {  	v40 =	vld [tilespmem:s4+$0x48A0]  }
0x5e: {  	v41 =	vld [tilespmem:s4+$0x8B0]  }
0x5f: {  	v42 =	vld [tilespmem:s4+$0x48B0]  }
0x60: {  	v43 =	vld [tilespmem:s4+$0x8C0]  }
0x61: {  	v44 =	vld [tilespmem:s4+$0x48C0]  }
0x62: {  	v45 =	vld [tilespmem:s4+$0x8D0]  }
0x63: {  	v46 =	vld [tilespmem:s4+$0x48D0]  }
0x64: {  	v47 =	vld [tilespmem:s4+$0x8E0]  }
0x65: {  	v48 =	vld [tilespmem:s4+$0x48E0]  }
0x66: {  	v49 =	vld [tilespmem:s4+$0x8F0]  }
0x67: {  	v50 =	vld [tilespmem:s4+$0x48F0]  }
0x68: {  	v51 =	vld [tilespmem:s4+$0xC80]  }
0x69: {  	v52 =	vld [tilespmem:s4+$0x4C80]  }
0x6a: {  	v53 =	vld [tilespmem:s4+$0xC90]  }
0x6b: {  	v54 =	vld [tilespmem:s4+$0x4C90]  }
0x6c: {  	v55 =	vld [tilespmem:s4+$0xCA0]  }
0x6d: {  	v56 =	vld [tilespmem:s4+$0x4CA0]  }
0x6e: {  	v57 =	vld [tilespmem:s4+$0xCB0]  }
0x6f: {  	v58 =	vld [tilespmem:s4+$0x4CB0]  }
0x70: {  	v59 =	vld [tilespmem:s4+$0xCC0]  }
0x71: {  	v60 =	vld [tilespmem:s4+$0x4CC0]  }
0x72: {  	v61 =	vld [tilespmem:s4+$0xCD0];
	v3 =	vmul.f32 $3.200000000e+01, v3  }
0x73: {  	v62 =	vld [tilespmem:s4+$0x4CD0];
	v5 =	vmul.f32 $3.200000000e+01, v5  }
0x74: {  	v63 =	vld [tilespmem:s4+$0xCE0];
	v3 =	vadd.f32 v4, v3;
	v4 =	vmul.f32 $3.200000000e+01, v7  }
0x75: {  	v7 =	vld [tilespmem:s4+$0x4CE0];
	v5 =	vadd.f32 v6, v5;
	v6 =	vmul.f32 $3.200000000e+01, v9  }
0x76: {  	v13 =	vmul.f32 $3.200000000e+01, v13;
	v9 =	vld [tilespmem:s4+$0xCF0];
	[tilespmem:s4+$0x80] =	vst v3;
	v3 =	vadd.f32 v8, v4;
	v4 =	vmul.f32 $3.200000000e+01, v11  }
0x77: {  	v8 =	vld [tilespmem:s4+$0x4CF0];
	[tilespmem:s4+$0x90] =	vst v5;
	v5 =	vadd.f32 v10, v6;
	v6 =	vmul.f32 $3.200000000e+01, v17;
	v17 =	vmul.f32 $3.200000000e+01, v19  }
0x78: {  	v10 =	vld [tilespmem:s4+$0x1080];
	v19 =	vmul.f32 $3.200000000e+01, v21;
	v21 =	vmul.f32 $3.200000000e+01, v23  }
0x79: {  	v11 =	vld [tilespmem:s4+$0x5080];
	v23 =	vmul.f32 $3.200000000e+01, v25;
	v25 =	vmul.f32 $3.200000000e+01, v27;
	[tilespmem:s4+$0xA0] =	vst v3;
	v3 =	vadd.f32 v12, v4  }
0x7a: {  	v27 =	vmul.f32 $3.200000000e+01, v29;
	v4 =	vmul.f32 $3.200000000e+01, v15;
	[tilespmem:s4+$0xB0] =	vst v5;
	v5 =	vadd.f32 v14, v13;
	v12 =	vld [tilespmem:s4+$0x1090]  }
0x7b: {  	v29 =	vmul.f32 $3.200000000e+01, v31;
	v31 =	vmul.f32 $3.200000000e+01, v33;
	v13 =	vld [tilespmem:s4+$0x5090];
	v18 =	vadd.f32 v18, v6;
	[tilespmem:s4+$0xC0] =	vst v3  }
0x7c: {  	v33 =	vmul.f32 $3.200000000e+01, v35;
	v35 =	vmul.f32 $3.200000000e+01, v37;
	v14 =	vld [tilespmem:s4+$0x10A0];
	v3 =	vadd.f32 v16, v4;
	[tilespmem:s4+$0xD0] =	vst v5  }
0x7d: {  	v37 =	vmul.f32 $3.200000000e+01, v39;
	v39 =	vmul.f32 $3.200000000e+01, v41;
	v15 =	vld [tilespmem:s4+$0x50A0];
	v22 =	vadd.f32 v22, v19;
	[tilespmem:s4+$0xF0] =	vst v18  }
0x7e: {  	v41 =	vmul.f32 $3.200000000e+01, v43;
	v43 =	vmul.f32 $3.200000000e+01, v45;
	v19 =	vld [tilespmem:s4+$0x50C0];
	[tilespmem:s4+$0xE0] =	vst v3;
	v3 =	vadd.f32 v20, v17  }
0x7f: {  	v45 =	vmul.f32 $3.200000000e+01, v47;
	v47 =	vmul.f32 $3.200000000e+01, v49;
	v26 =	vadd.f32 v26, v23;
	v23 =	vld [tilespmem:s4+$0x50E0];
	[tilespmem:s4+$0x490] =	vst v22  }
0x80: {  	v49 =	vmul.f32 $3.200000000e+01, v51;
	v30 =	vadd.f32 v30, v27;
	v27 =	vld [tilespmem:s4+$0x5480];
	[tilespmem:s4+$0x480] =	vst v3;
	v3 =	vadd.f32 v24, v21  }
0x81: {  	v51 =	vmul.f32 $3.200000000e+01, v53;
	v53 =	vmul.f32 $3.200000000e+01, v55;
	v34 =	vadd.f32 v34, v31;
	v31 =	vld [tilespmem:s4+$0x54A0];
	[tilespmem:s4+$0x4B0] =	vst v26  }
0x82: {  	v55 =	vmul.f32 $3.200000000e+01, v57;
	v46 =	vadd.f32 v46, v43;
	v43 =	vld [tilespmem:s4+$0x14E0];
	[tilespmem:s4+$0x4A0] =	vst v3;
	v3 =	vadd.f32 v28, v25  }
0x83: {  	v54 =	vadd.f32 v54, v51;
	v51 =	vld [tilespmem:s4+$0x54F0];
	[tilespmem:s4+$0x4D0] =	vst v30  }
0x84: {  	v57 =	vmul.f32 $3.200000000e+01, v59;
	v59 =	vadd.f32 v58, v55;
	v58 =	vld [tilespmem:s4+$0x1890];
	[tilespmem:s4+$0x4C0] =	vst v3;
	v3 =	vadd.f32 v32, v29  }
0x85: {  	v38 =	vadd.f32 v38, v35;
	v35 =	vld [tilespmem:s4+$0x18D0];
	[tilespmem:s4+$0x4F0] =	vst v34  }
0x86: {  	v16 =	vld [tilespmem:s4+$0x10B0];
	[tilespmem:s4+$0x4E0] =	vst v3;
	v3 =	vadd.f32 v36, v33  }
0x87: {  	v42 =	vadd.f32 v42, v39;
	v18 =	vld [tilespmem:s4+$0x10C0];
	[tilespmem:s4+$0x890] =	vst v38  }
0x88: {  	v22 =	vld [tilespmem:s4+$0x10E0];
	[tilespmem:s4+$0x880] =	vst v3;
	v3 =	vadd.f32 v40, v37  }
0x89: {  	v26 =	vld [tilespmem:s4+$0x1480];
	[tilespmem:s4+$0x8B0] =	vst v42  }
0x8a: {  	v30 =	vld [tilespmem:s4+$0x14A0];
	[tilespmem:s4+$0x8A0] =	vst v3;
	v3 =	vadd.f32 v44, v41  }
0x8b: {  	v50 =	vadd.f32 v50, v47;
	[tilespmem:s4+$0x8D0] =	vst v46;
	v17 =	vld [tilespmem:s4+$0x50B0]  }
0x8c: {  	v20 =	vld [tilespmem:s4+$0x10D0];
	[tilespmem:s4+$0x8C0] =	vst v3;
	v3 =	vadd.f32 v48, v45  }
0x8d: {  	[tilespmem:s4+$0x8F0] =	vst v50;
	v34 =	vld [tilespmem:s4+$0x14C0]  }
0x8e: {  	v21 =	vld [tilespmem:s4+$0x50D0];
	[tilespmem:s4+$0x8E0] =	vst v3;
	v3 =	vadd.f32 v52, v49  }
0x8f: {  	[tilespmem:s4+$0xC90] =	vst v54;
	v38 =	vld [tilespmem:s4+$0x14D0];
	v50 =	vmul.f32 $3.200000000e+01, v16  }
0x90: {  	v46 =	vld [tilespmem:s4+$0x54E0];
	[tilespmem:s4+$0xC80] =	vst v3;
	v3 =	vadd.f32 v56, v53  }
0x91: {  	[tilespmem:s4+$0xCB0] =	vst v59;
	v24 =	vld [tilespmem:s4+$0x10F0];
	v54 =	vadd.f32 v17, v50;
	v55 =	vmul.f32 $3.200000000e+01, v20  }
0x92: {  	v25 =	vld [tilespmem:s4+$0x50F0];
	v37 =	vmul.f32 $3.200000000e+01, v63;
	[tilespmem:s4+$0xCA0] =	vst v3;
	v3 =	vadd.f32 v60, v57  }
0x93: {  	v28 =	vld [tilespmem:s4+$0x1490];
	[tilespmem:s4+$0x10B0] =	vst v54;
	v59 =	vadd.f32 v21, v55;
	v36 =	vmul.f32 $3.200000000e+01, v61  }
0x94: {  	v42 =	vmul.f32 $3.200000000e+01, v10;
	v29 =	vld [tilespmem:s4+$0x5490];
	[tilespmem:s4+$0xCC0] =	vst v3;
	v3 =	vadd.f32 v7, v37  }
0x95: {  	[tilespmem:s4+$0x10D0] =	vst v59;
	v39 =	vadd.f32 v62, v36;
	v40 =	vmul.f32 $3.200000000e+01, v9;
	v63 =	vld [tilespmem:s4+$0x18A0]  }
0x96: {  	v47 =	vmul.f32 $3.200000000e+01, v14;
	v48 =	vld [tilespmem:s4+$0x14F0];
	[tilespmem:s4+$0xCE0] =	vst v3;
	v3 =	vadd.f32 v11, v42  }
0x97: {  	[tilespmem:s4+$0xCD0] =	vst v39;
	v44 =	vadd.f32 v8, v40;
	v45 =	vmul.f32 $3.200000000e+01, v12;
	v60 =	vmul.f32 $3.200000000e+01, v24;
	v24 =	vld [tilespmem:s4+$0x58A0]  }
0x98: {  	v52 =	vmul.f32 $3.200000000e+01, v18;
	v42 =	vld [tilespmem:s4+$0x18F0];
	[tilespmem:s4+$0x1080] =	vst v3;
	v3 =	vadd.f32 v15, v47  }
0x99: {  	v32 =	vld [tilespmem:s4+$0x14B0];
	[tilespmem:s4+$0xCF0] =	vst v44;
	v49 =	vadd.f32 v13, v45  }
0x9a: {  	v57 =	vmul.f32 $3.200000000e+01, v22;
	v47 =	vld [tilespmem:s4+$0x58F0];
	[tilespmem:s4+$0x10A0] =	vst v3;
	v3 =	vadd.f32 v19, v52  }
0x9b: {  	v33 =	vld [tilespmem:s4+$0x54B0];
	v44 =	vmul.f32 $3.200000000e+01, v63;
	[tilespmem:s4+$0x1090] =	vst v49;
	v22 =	vadd.f32 v25, v60  }
0x9c: {  	v61 =	vld [tilespmem:s4+$0x5890];
	v62 =	vmul.f32 $3.200000000e+01, v26;
	[tilespmem:s4+$0x10C0] =	vst v3;
	v3 =	vadd.f32 v23, v57  }
0x9d: {  	v41 =	vld [tilespmem:s4+$0x54D0];
	v36 =	vmul.f32 $3.200000000e+01, v48;
	[tilespmem:s4+$0x10F0] =	vst v22;
	v48 =	vadd.f32 v24, v44;
	v52 =	vmul.f32 $3.200000000e+01, v42  }
0x9e: {  	v53 =	vld [tilespmem:s4+$0x1880];
	v25 =	vmul.f32 $3.200000000e+01, v30;
	[tilespmem:s4+$0x10E0] =	vst v3;
	v3 =	vadd.f32 v27, v62  }
0x9f: {  	v26 =	vld [tilespmem:s4+$0x18B0];
	[tilespmem:s4+$0x18A0] =	vst v48;
	v23 =	vmul.f32 $3.200000000e+01, v28;
	v54 =	vadd.f32 v47, v52  }
0xa0: {  	v56 =	vld [tilespmem:s4+$0x5880];
	v30 =	vmul.f32 $3.200000000e+01, v38;
	[tilespmem:s4+$0x1480] =	vst v3;
	v3 =	vadd.f32 v31, v25  }
0xa1: {  	v40 =	vld [tilespmem:s4+$0x18E0];
	v28 =	vmul.f32 $3.200000000e+01, v32;
	v27 =	vadd.f32 v29, v23;
	[tilespmem:s4+$0x18F0] =	vst v54  }
0xa2: {  	v45 =	vld [tilespmem:s4+$0x58E0];
	[tilespmem:s4+$0x14A0] =	vst v3;
	v3 =	vadd.f32 v41, v30  }
0xa3: {  	v39 =	vmul.f32 $3.200000000e+01, v53;
	v29 =	vld [tilespmem:s4+$0x58B0];
	v32 =	vadd.f32 v33, v28;
	[tilespmem:s4+$0x1490] =	vst v27  }
0xa4: {  	v37 =	vld [tilespmem:s4+$0x58D0];
	v33 =	vmul.f32 $3.200000000e+01, v43;
	v41 =	vmul.f32 $3.200000000e+01, v58;
	[tilespmem:s4+$0x14D0] =	vst v3;
	v3 =	vadd.f32 v51, v36  }
0xa5: {  	v43 =	vadd.f32 v56, v39;
	v31 =	vld [tilespmem:s4+$0x18C0];
	[tilespmem:s4+$0x14B0] =	vst v32  }
0xa6: {  	v49 =	vld [tilespmem:s4+$0x54C0];
	v38 =	vadd.f32 v46, v33;
	v46 =	vmul.f32 $3.200000000e+01, v26;
	[tilespmem:s4+$0x14F0] =	vst v3;
	v3 =	vadd.f32 v61, v41  }
0xa7: {  	v50 =	vld [tilespmem:s4+$0x58C0];
	v7 =	vmul.f32 $3.200000000e+01, v35;
	[tilespmem:s4+$0x1880] =	vst v43  }
0xa8: {  	v8 =	vmul.f32 $3.200000000e+01, v40;
	[tilespmem:s4+$0x1890] =	vst v3;
	v3 =	vadd.f32 v29, v46  }
0xa9: {  	s25 =	sand.u32 $0x7, s29;
	v53 =	vmul.f32 $3.200000000e+01, v34;
	[tilespmem:s4+$0x14E0] =	vst v38;
	v51 =	vadd.f32 v37, v7  }
0xaa: {  	s12 =	sshll.u32 s25, $0x7;
	v55 =	vmul.f32 $3.200000000e+01, v31;
	[tilespmem:s4+$0x18B0] =	vst v3;
	v3 =	vadd.f32 v45, v8  }
0xab: {  	s12 =	sadd.s32 s12, s31;
	v6 =	vadd.f32 v49, v53;
	[tilespmem:s4+$0x18D0] =	vst v51  }
0xac: {  	s25 =	sor.u32 $0x1C00, s12;
	[tilespmem:s4+$0x18E0] =	vst v3;
	v3 =	vadd.f32 v50, v55  }
0xad: {  	[tilespmem:s4+$0x14C0] =	vst v6;
	v56 =	vld [tilespmem:s25+$0x80]  }
0xae: {  	[tilespmem:s4+$0x18C0] =	vst v3  }
0xaf: {  	v3 =	vld [tilespmem:s25+$0x4080];
	_ =	sdelay $0x2  }
0xb0: {  	v4 =	vmul.f32 $3.200000000e+01, v56;
	_ =	sdelay $0x1  }
0xb1: {  	v3 =	vadd.f32 v3, v4;
	_ =	sdelay $0x1  }
0xb2: {  	[tilespmem:s25+$0x80] =	vst v3;
	s25 =	sor.u32 $0x1C10, s12  }
0xb3: {  	v3 =	vld [tilespmem:s25+$0x80];
	_ =	sdelay $0x1  }
0xb4: {  	v57 =	vld [tilespmem:s25+$0x4080];
	_ =	sdelay $0x2  }
0xb5: {  	v3 =	vmul.f32 $3.200000000e+01, v3;
	_ =	sdelay $0x1  }
0xb6: {  	v3 =	vadd.f32 v57, v3;
	_ =	sdelay $0x1  }
0xb7: {  	[tilespmem:s25+$0x80] =	vst v3;
	s25 =	sor.u32 $0x1C20, s12  }
0xb8: {  	v3 =	vld [tilespmem:s25+$0x80];
	_ =	sdelay $0x1  }
0xb9: {  	v58 =	vld [tilespmem:s25+$0x4080];
	_ =	sdelay $0x2  }
0xba: {  	v3 =	vmul.f32 $3.200000000e+01, v3;
	_ =	sdelay $0x1  }
0xbb: {  	v3 =	vadd.f32 v58, v3;
	_ =	sdelay $0x1  }
0xbc: {  	[tilespmem:s25+$0x80] =	vst v3;
	s25 =	sor.u32 $0x1C30, s12  }
0xbd: {  	v3 =	vld [tilespmem:s25+$0x80];
	_ =	sdelay $0x1  }
0xbe: {  	v59 =	vld [tilespmem:s25+$0x4080];
	_ =	sdelay $0x2  }
0xbf: {  	v3 =	vmul.f32 $3.200000000e+01, v3;
	_ =	sdelay $0x1  }
0xc0: {  	v3 =	vadd.f32 v59, v3;
	_ =	sdelay $0x1  }
0xc1: {  	[tilespmem:s25+$0x80] =	vst v3;
	s25 =	sor.u32 $0x1C40, s12  }
0xc2: {  	v3 =	vld [tilespmem:s25+$0x80];
	_ =	sdelay $0x1  }
0xc3: {  	v60 =	vld [tilespmem:s25+$0x4080];
	_ =	sdelay $0x2  }
0xc4: {  	v3 =	vmul.f32 $3.200000000e+01, v3;
	_ =	sdelay $0x1  }
0xc5: {  	v3 =	vadd.f32 v60, v3;
	_ =	sdelay $0x1  }
0xc6: {  	[tilespmem:s25+$0x80] =	vst v3;
	s25 =	sor.u32 $0x1C50, s12  }
0xc7: {  	v3 =	vld [tilespmem:s25+$0x80];
	_ =	sdelay $0x1  }
0xc8: {  	v61 =	vld [tilespmem:s25+$0x4080];
	_ =	sdelay $0x2  }
0xc9: {  	v3 =	vmul.f32 $3.200000000e+01, v3;
	_ =	sdelay $0x1  }
0xca: {  	v3 =	vadd.f32 v61, v3;
	_ =	sdelay $0x1  }
0xcb: {  	[tilespmem:s25+$0x80] =	vst v3;
	s25 =	sor.u32 $0x1C60, s12  }
0xcc: {  	v3 =	vld [tilespmem:s25+$0x80];
	_ =	sdelay $0x1  }
0xcd: {  	v62 =	vld [tilespmem:s25+$0x4080];
	_ =	sdelay $0x2  }
0xce: {  	v3 =	vmul.f32 $3.200000000e+01, v3;
	_ =	sdelay $0x1  }
0xcf: {  	v3 =	vadd.f32 v62, v3;
	_ =	sdelay $0x1  }
0xd0: {  	[tilespmem:s25+$0x80] =	vst v3;
	s25 =	sor.u32 $0x1C70, s12  }
0xd1: {  	v3 =	vld [tilespmem:s25+$0x80];
	_ =	sdelay $0x1  }
0xd2: {  	v63 =	vld [tilespmem:s25+$0x4080];
	_ =	sdelay $0x1  }
0xd3: {  	p0 =	sne.s32 s0, $0x780  }
.Ltmp0:
0xd4: {  	v3 =	vmul.f32 $3.200000000e+01, v3;
	(pc) =	sbr.rel @p0 .LBB2_3-.Ltmp0, $4  }
0xd5: {  	_ = 	snop  }
0xd6: {  	v3 =	vadd.f32 v63, v3  }
0xd7: {  	s29 =	sadd.s32 $0x1, s29  }
0xd8: {  	s30 =	sadd.s32 $0x400, s30;
	s0 =	sadd.s32 $0x80, s0;
	s31 =	sadd.s32 $0x400, s31;
	[tilespmem:s25+$0x80] =	vst v3  }
0xd9: {  	s26 =	sadd.s32 $0x1, s26  }
0xda: {  	s0 =	sshll.u32 s28, $0x7;
	p0 =	sne.s32 s26, $0x20  }
.Ltmp1:
0xdb: {  	s0 =	sadd.s32 s2, s0;
	(pc) =	sbr.rel @p0 .LBB2_2-.Ltmp1, $4  }
0xdc: {  	[hbm4b:s0+s3] =	stream.linear.scatter [tilespmem:s14], [sflag:$0x3], $0x4000, $0x38;
	[tilespmem:$0x8080] =	vst v63  }
0xdd: {  	_ =	swait.ge [sflag:s13], $0x4000  }
0xde: {  	[sflag:s13] =	ssyncset.done $0x0  }
0xdf: {  	[sflag:s13] =	ssyncadd.s32 $0xFFFFC000  }
0xe0: {  	s4 =	rddreg [dreg:$0x5]  }
0xe1: {  	s0 =	rddreg [dreg:$0x4];
	s4 =	sadd.s32 $0x1, s4  }
0xe2: {  	p0 =	sne.s32 s4, s0  }
.Ltmp2:
0xe3: {  	_ = 	snop;
	(pc) =	sbr.rel @p0 .LBB2_1-.Ltmp2, $1  }
0xe4: {  	_ =	sdelay $0x3  }
0xe5: {  	_ =	sfence.sel $0x180000  }
0xe6: {  	[bflag:$0x0] =	sbarrier.arrive $0xFFFF  }
0xe7: {  	_ =	strace $0x90000047  }
0xe8: {  	s0 =	stileid.u32;
	[bflag:$0x2] =	sbarrier.arrive $0xFFFF  }
0xe9: {  	p0 =	sne.s32 s0, $0x0;
	s0 =	rddreg [dreg:$0x3]  }
0xea: {  	s0 =	sadd.s32 @!p0 $0x100000, s0  }
0xeb: {  	[sflag:s0] =	ssyncadd.tile.s32 @!p0 $0x1;
	_ =	shalt  }
.Lfunc_end2:
_tile_overlayer_lowered:
.L_overlay_start_2:
0xec: {  	(tag) =	ssettag $0x2  }
0xed: {  	s0 =	rddreg [dreg:$0x0];
	s2 =	stileid.u32  }
0xee: {  	s1 =	rddreg [dreg:$0x1];
	p0 =	sne.s32 s2, $0x0  }
0xef: {  	s3 =	rddreg [dreg:$0x2];
	[bflag:$0x3] =	sbarrier.arrive $0xFFFF;
	s2 =	simm.s32 @!p0 $0x1C03  }
0xf0: {  	[timem:s3], [sflag:s2] =	dma.local @!p0 [hbm:s0], s1  }
0xf1: {  	s0 =	simm.s32 @!p0 $0x3  }
0xf2: {  	_ =	swait.ge @!p0 [sflag:s0], s1  }
0xf3: {  	s1 =	ssub.s32 @!p0 $0x0, s1;
	[sflag:s0] =	ssyncset.done @!p0 $0x0  }
0xf4: {  	[sflag:s0] =	ssyncadd.s32 @!p0 s1  }
0xf5: {  	[bflag:$0x3] =	sbarrier.arrive $0xFFFF  }
0xf6: {  	_ =	shalt  }

</sc_bundles>
